<compile_context>
chip_gen: v7x
topology: tpu7x:2x2x1
jax: 0.10.2.dev20260603
libtpu: 0.0.44.dev20260713+nightly
codegen_flags: <defaults>
</compile_context>

<pallas_src>
import functools

import jax
import jax.numpy as jnp
from jax import lax
from jax.experimental import pallas as pl
from jax.experimental.pallas import tpu as pltpu
from jax.experimental.pallas import tpu_sc as plsc

N = 262144
D = 128
L = 16
G = D // L
NC = 2
NS = 16
NW = NC * NS
R = N // NW
C = 256
K = R // C


def _count_body(x_hbm, out_hbm, buf, edgebuf, accb, sem0, sem1, esem0, esem1):
    cid = lax.axis_index("c")
    sid = lax.axis_index("s")
    wid = sid * NC + cid
    base = wid * R

    tail_row = jnp.minimum(base + R, N - 1)
    first_cp = pltpu.make_async_copy(
        x_hbm.at[pl.ds(base, 1)], edgebuf.at[pl.ds(0, 1)], esem0)
    tail_cp = pltpu.make_async_copy(
        x_hbm.at[pl.ds(tail_row, 1)], edgebuf.at[pl.ds(1, 1)], esem1)
    first_cp.start()
    tail_cp.start()

    pltpu.make_async_copy(x_hbm.at[pl.ds(base, C)], buf.at[0], sem0).start()

    zero = jnp.zeros((L,), jnp.int32)
    init = ((zero,) * G, (zero,) * G)
    one = jnp.ones((L,), jnp.int32)

    def row_slab(bref, carry):
        @pl.loop(0, C, init_carry=carry, unroll=4)
        def rows(r, c_in):
            acc, prev = c_in
            new_acc = []
            new_prev = []
            for g in range(G):
                x = bref[r, pl.ds(L * g, L)]
                c01 = jnp.where(x > 0.0, one, zero)
                new_acc.append(acc[g] + jnp.bitwise_xor(c01, prev[g]))
                new_prev.append(c01)
            return (tuple(new_acc), tuple(new_prev))

        return rows

    @pl.loop(0, K, step=2, init_carry=init)
    def chunks(k, carry):
        pltpu.make_async_copy(
            x_hbm.at[pl.ds(base + k * C, C)], buf.at[0], sem0).wait()
        pltpu.make_async_copy(
            x_hbm.at[pl.ds(base + (k + 1) * C, C)], buf.at[1], sem1).start()
        carry = row_slab(buf.at[0], carry)

        pltpu.make_async_copy(
            x_hbm.at[pl.ds(base + (k + 1) * C, C)], buf.at[1], sem1).wait()

        @pl.when(k + 2 < K)
        def _():
            pltpu.make_async_copy(
                x_hbm.at[pl.ds(base + (k + 2) * C, C)], buf.at[0], sem0
            ).start()

        return row_slab(buf.at[1], carry)

    acc, prev = chunks

    first_cp.wait()
    tail_cp.wait()
    wm = jnp.where(wid < NW - 1, 2, 0)
    for g in range(G):
        xf = edgebuf[0, pl.ds(L * g, L)]
        xt = edgebuf[1, pl.ds(L * g, L)]
        t_first = jnp.where(xf > 0.0, one, zero)
        t_last = prev[g]
        t_tail = jnp.where(xt > 0.0, wm, 0)
        ups2 = acc[g] + t_last - 2 * t_first + t_tail * (1 - t_last)
        accb[0, pl.ds(L * g, L)] = ups2.astype(jnp.float32) * 0.5
    pltpu.sync_copy(accb, out_hbm.at[pl.ds(wid, 1)])


@functools.partial(
    pl.kernel,
    out_type=jax.ShapeDtypeStruct((NW, D), jnp.float32),
    mesh=plsc.VectorSubcoreMesh(core_axis_name="c", subcore_axis_name="s"),
    scratch_types=[
        pltpu.VMEM((2, C, D), jnp.float32),
        pltpu.VMEM((2, D), jnp.float32),
        pltpu.VMEM((1, D), jnp.float32),
        pltpu.SemaphoreType.DMA,
        pltpu.SemaphoreType.DMA,
        pltpu.SemaphoreType.DMA,
        pltpu.SemaphoreType.DMA,
    ],
)
def _transition_counts(x_hbm, out_hbm, buf, edgebuf, accb, s0, s1, e0, e1):
    _count_body(x_hbm, out_hbm, buf, edgebuf, accb, s0, s1, e0, e1)


@jax.jit
def kernel(tens, values):
    del values
    partials = _transition_counts(tens)
    return jnp.sum(partials, axis=0)

# --- scband reference (transcript-rebuilt; emitter-appended) ---
"""Pipeline reference for scband-model-19722489823756 (READ-ONLY COPY).

The authoritative reference and input builder live on the scoring server;
editing this copy changes nothing except your own understanding.
"""

import jax, jax.numpy as jnp
import numpy as np


def heaviside_custom(x, values):
    ones = jnp.ones_like(x)
    zeros = jnp.zeros_like(x)
    return jnp.where(x > 0, ones, jnp.where(x < 0, zeros, values))


def setup_inputs(seed: int = 0) -> dict:
    key = jax.random.key(seed)
    tens = jax.random.normal(key, (262144, 128), dtype=jnp.float32)
    values = jnp.zeros((1,), dtype=jnp.float32)  # self.values = tf.constant([0])
    return {"tens": tens, "values": values}


def reference(tens, values):
    t = heaviside_custom(tens, values)
    b = t[1:] - t[:-1]
    mask = jnp.any(jnp.not_equal(b, 0), axis=1)
    # tf.boolean_mask(b, mask) followed by sum(axis=0) is exactly equivalent to
    # zeroing masked-out rows (which are already all-zero) and summing all rows.
    b = jnp.where(jnp.equal(b, -1.0), jnp.zeros_like(b), b)
    b = b * mask[:, None].astype(b.dtype)
    return jnp.sum(b, axis=0)

if __name__ == "__main__":
    import jax
    _d = setup_inputs()
    print(jax.jit(kernel)(*tuple(_d.values())))

</pallas_src>

<mosaic_0001>
#map = affine_map<(d0, d1) -> (0, 0)>
module attributes {stable_mosaic.version = 14 : i64} {
  func.func @_transition_counts(%arg0: i32, %arg1: i32, %arg2: memref<262144x128xf32, #tpu.memory_space<hbm>>, %arg3: memref<32x128xf32, #tpu.memory_space<hbm>>, %arg4: memref<2x256x128xf32, #tpu.memory_space<vmem>>, %arg5: memref<2x128xf32, #tpu.memory_space<vmem>>, %arg6: memref<1x128xf32, #tpu.memory_space<vmem>>, %arg7: memref<!tpu.dma_semaphore, #tpu.memory_space<semaphore_mem>>, %arg8: memref<!tpu.dma_semaphore, #tpu.memory_space<semaphore_mem>>, %arg9: memref<!tpu.dma_semaphore, #tpu.memory_space<semaphore_mem>>, %arg10: memref<!tpu.dma_semaphore, #tpu.memory_space<semaphore_mem>>) attributes {dimension_semantics = [#tpu.dimension_semantics<core_parallel>, #tpu.dimension_semantics<subcore_parallel>], iteration_bounds = array<i64: 2, 16>, scalar_prefetch = 0 : i64, scratch_operands = 7 : i64, tpu.core_type = #tpu.core_type<sc_vector_subcore>, window_params = [{transform_indices = #map}, {transform_indices = #map}]} {
    %mul3A = arith.constant 2 : i32
    %mul3A_0 = arith.muli %arg1, %mul3A : i32
    %add3A = arith.addi %mul3A_0, %arg0 : i32
    %mul3A_1 = arith.constant 8192 : i32
    %mul3A_2 = arith.muli %add3A, %mul3A_1 : i32
    %add3A_3 = arith.constant 8192 : i32
    %add3A_4 = arith.addi %mul3A_2, %add3A_3 : i32
    %min3A = arith.constant 262143 : i32
    %min3A_5 = arith.minsi %add3A_4, %min3A : i32
    %dma_start3A = arith.constant 0 : i32
    %dma_start3A_6 = arith.constant 0 : i32
    %dma_start3A_7 = tpu.memref_slice %arg5[%dma_start3A, %dma_start3A_6] : memref<2x128xf32, #tpu.memory_space<vmem>> -> memref<1x128xf32, #tpu.memory_space<vmem>>
    %dma_start3A_8 = arith.constant 0 : i32
    %dma_start3A_9 = tpu.memref_slice %arg2[%mul3A_2, %dma_start3A_8] : memref<262144x128xf32, #tpu.memory_space<hbm>> -> memref<1x128xf32, #tpu.memory_space<hbm>>
    %dma_start3A_10 = arith.constant 0 : i32
    %dma_start3A_11 = arith.constant 0 : i32
    %dma_start3A_12 = tpu.memref_slice %arg5[%dma_start3A_10, %dma_start3A_11] : memref<2x128xf32, #tpu.memory_space<vmem>> -> memref<1x128xf32, #tpu.memory_space<vmem>>
    %dma_start3A_13 = arith.constant 0 : i32
    %dma_start3A_14 = tpu.memref_slice %arg2[%mul3A_2, %dma_start3A_13] : memref<262144x128xf32, #tpu.memory_space<hbm>> -> memref<1x128xf32, #tpu.memory_space<hbm>>
    tpu.enqueue_dma source(%dma_start3A_14 : memref<1x128xf32, #tpu.memory_space<hbm>>) target(%dma_start3A_12 : memref<1x128xf32, #tpu.memory_space<vmem>>) target_semaphore(%arg9 : memref<!tpu.dma_semaphore, #tpu.memory_space<semaphore_mem>>)
    %dma_start3A_15 = arith.constant 1 : i32
    %dma_start3A_16 = arith.constant 0 : i32
    %dma_start3A_17 = tpu.memref_slice %arg5[%dma_start3A_15, %dma_start3A_16] : memref<2x128xf32, #tpu.memory_space<vmem>> -> memref<1x128xf32, #tpu.memory_space<vmem>>
    %dma_start3A_18 = arith.constant 0 : i32
    %dma_start3A_19 = tpu.memref_slice %arg2[%min3A_5, %dma_start3A_18] : memref<262144x128xf32, #tpu.memory_space<hbm>> -> memref<1x128xf32, #tpu.memory_space<hbm>>
    %dma_start3A_20 = arith.constant 1 : i32
    %dma_start3A_21 = arith.constant 0 : i32
    %dma_start3A_22 = tpu.memref_slice %arg5[%dma_start3A_20, %dma_start3A_21] : memref<2x128xf32, #tpu.memory_space<vmem>> -> memref<1x128xf32, #tpu.memory_space<vmem>>
    %dma_start3A_23 = arith.constant 0 : i32
    %dma_start3A_24 = tpu.memref_slice %arg2[%min3A_5, %dma_start3A_23] : memref<262144x128xf32, #tpu.memory_space<hbm>> -> memref<1x128xf32, #tpu.memory_space<hbm>>
    tpu.enqueue_dma source(%dma_start3A_24 : memref<1x128xf32, #tpu.memory_space<hbm>>) target(%dma_start3A_22 : memref<1x128xf32, #tpu.memory_space<vmem>>) target_semaphore(%arg10 : memref<!tpu.dma_semaphore, #tpu.memory_space<semaphore_mem>>)
    %dma_start3A_25 = arith.constant 0 : i32
    %dma_start3A_26 = arith.constant 0 : i32
    %dma_start3A_27 = arith.constant 0 : i32
    %dma_start3A_28 = tpu.memref_slice %arg4[%dma_start3A_25, %dma_start3A_26, %dma_start3A_27] : memref<2x256x128xf32, #tpu.memory_space<vmem>> -> memref<1x256x128xf32, #tpu.memory_space<vmem>>
    %dma_start3A_29 = tpu.memref_squeeze %dma_start3A_28 : memref<1x256x128xf32, #tpu.memory_space<vmem>> -> memref<256x128xf32, #tpu.memory_space<vmem>>
    %dma_start3A_30 = arith.constant 0 : i32
    %dma_start3A_31 = tpu.memref_slice %arg2[%mul3A_2, %dma_start3A_30] : memref<262144x128xf32, #tpu.memory_space<hbm>> -> memref<256x128xf32, #tpu.memory_space<hbm>>
    %dma_start3A_32 = arith.constant 0 : i32
    %dma_start3A_33 = arith.constant 0 : i32
    %dma_start3A_34 = tpu.memref_slice %arg4[%dma_start3A_25, %dma_start3A_32, %dma_start3A_33] : memref<2x256x128xf32, #tpu.memory_space<vmem>> -> memref<1x256x128xf32, #tpu.memory_space<vmem>>
    %dma_start3A_35 = tpu.memref_squeeze %dma_start3A_34 : memref<1x256x128xf32, #tpu.memory_space<vmem>> -> memref<256x128xf32, #tpu.memory_space<vmem>>
    %dma_start3A_36 = arith.constant 0 : i32
    %dma_start3A_37 = tpu.memref_slice %arg2[%mul3A_2, %dma_start3A_36] : memref<262144x128xf32, #tpu.memory_space<hbm>> -> memref<256x128xf32, #tpu.memory_space<hbm>>
    tpu.enqueue_dma source(%dma_start3A_37 : memref<256x128xf32, #tpu.memory_space<hbm>>) target(%dma_start3A_35 : memref<256x128xf32, #tpu.memory_space<vmem>>) target_semaphore(%arg7 : memref<!tpu.dma_semaphore, #tpu.memory_space<semaphore_mem>>)
    %broadcast_in_dim3A = arith.constant 0 : i32
    %broadcast_in_dim3A_38 = vector.broadcast %broadcast_in_dim3A : i32 to vector<16xi32>
    %broadcast_in_dim3A_39 = arith.constant 1 : i32
    %broadcast_in_dim3A_40 = vector.broadcast %broadcast_in_dim3A_39 : i32 to vector<16xi32>
    %scan3A = arith.constant 0 : i32
    %scan3A_41 = arith.constant 16 : i32
    %scan3A_42 = arith.addi %scan3A, %scan3A_41 : i32
    %scan3A_43 = arith.constant 1 : i32
    %scan3A_44:16 = scf.for %scan3A_390 = %scan3A to %scan3A_42 step %scan3A_43 iter_args(%scan3A_391 = %broadcast_in_dim3A_38, %scan3A_392 = %broadcast_in_dim3A_38, %scan3A_393 = %broadcast_in_dim3A_38, %scan3A_394 = %broadcast_in_dim3A_38, %scan3A_395 = %broadcast_in_dim3A_38, %scan3A_396 = %broadcast_in_dim3A_38, %scan3A_397 = %broadcast_in_dim3A_38, %scan3A_398 = %broadcast_in_dim3A_38, %scan3A_399 = %broadcast_in_dim3A_38, %scan3A_400 = %broadcast_in_dim3A_38, %scan3A_401 = %broadcast_in_dim3A_38, %scan3A_402 = %broadcast_in_dim3A_38, %scan3A_403 = %broadcast_in_dim3A_38, %scan3A_404 = %broadcast_in_dim3A_38, %scan3A_405 = %broadcast_in_dim3A_38, %scan3A_406 = %broadcast_in_dim3A_38) -> (vector<16xi32>, vector<16xi32>, vector<16xi32>, vector<16xi32>, vector<16xi32>, vector<16xi32>, vector<16xi32>, vector<16xi32>, vector<16xi32>, vector<16xi32>, vector<16xi32>, vector<16xi32>, vector<16xi32>, vector<16xi32>, vector<16xi32>, vector<16xi32>)  : i32 {
      %mul3A_407 = arith.constant 2 : i32
      %mul3A_408 = arith.muli %scan3A_390, %mul3A_407 : i32
      %add3A_409 = arith.constant 0 : i32
      %add3A_410 = arith.addi %add3A_409, %mul3A_408 : i32
      %mul3A_411 = arith.constant 256 : i32
      %mul3A_412 = arith.muli %add3A_410, %mul3A_411 : i32
      %add3A_413 = arith.addi %mul3A_2, %mul3A_412 : i32
      %dma_wait3A_414 = arith.constant 0 : i32
      %dma_wait3A_415 = arith.constant 0 : i32
      %dma_wait3A_416 = arith.constant 0 : i32
      %dma_wait3A_417 = tpu.memref_slice %arg4[%dma_wait3A_414, %dma_wait3A_415, %dma_wait3A_416] : memref<2x256x128xf32, #tpu.memory_space<vmem>> -> memref<1x256x128xf32, #tpu.memory_space<vmem>>
      %dma_wait3A_418 = tpu.memref_squeeze %dma_wait3A_417 : memref<1x256x128xf32, #tpu.memory_space<vmem>> -> memref<256x128xf32, #tpu.memory_space<vmem>>
      %dma_wait3A_419 = arith.constant 0 : i32
      %dma_wait3A_420 = tpu.memref_slice %arg2[%add3A_413, %dma_wait3A_419] : memref<262144x128xf32, #tpu.memory_space<hbm>> -> memref<256x128xf32, #tpu.memory_space<hbm>>
      %dma_wait3A_421 = arith.constant 0 : i32
      %dma_wait3A_422 = arith.constant 0 : i32
      %dma_wait3A_423 = tpu.memref_slice %arg4[%dma_wait3A_414, %dma_wait3A_421, %dma_wait3A_422] : memref<2x256x128xf32, #tpu.memory_space<vmem>> -> memref<1x256x128xf32, #tpu.memory_space<vmem>>
      %dma_wait3A_424 = tpu.memref_squeeze %dma_wait3A_423 : memref<1x256x128xf32, #tpu.memory_space<vmem>> -> memref<256x128xf32, #tpu.memory_space<vmem>>
      %dma_wait3A_425 = arith.constant 0 : i32
      %dma_wait3A_426 = tpu.memref_slice %arg2[%add3A_413, %dma_wait3A_425] : memref<262144x128xf32, #tpu.memory_space<hbm>> -> memref<256x128xf32, #tpu.memory_space<hbm>>
      tpu.wait_dma2 semaphore(%arg7 : memref<!tpu.dma_semaphore, #tpu.memory_space<semaphore_mem>>) src(%dma_wait3A_426 : memref<256x128xf32, #tpu.memory_space<hbm>>) dst(%dma_wait3A_424 : memref<256x128xf32, #tpu.memory_space<vmem>>)
      %add3A_427 = arith.constant 1 : i32
      %add3A_428 = arith.addi %add3A_410, %add3A_427 : i32
      %mul3A_429 = arith.constant 256 : i32
      %mul3A_430 = arith.muli %add3A_428, %mul3A_429 : i32
      %add3A_431 = arith.addi %mul3A_2, %mul3A_430 : i32
      %dma_start3A_432 = arith.constant 1 : i32
      %dma_start3A_433 = arith.constant 0 : i32
      %dma_start3A_434 = arith.constant 0 : i32
      %dma_start3A_435 = tpu.memref_slice %arg4[%dma_start3A_432, %dma_start3A_433, %dma_start3A_434] : memref<2x256x128xf32, #tpu.memory_space<vmem>> -> memref<1x256x128xf32, #tpu.memory_space<vmem>>
      %dma_start3A_436 = tpu.memref_squeeze %dma_start3A_435 : memref<1x256x128xf32, #tpu.memory_space<vmem>> -> memref<256x128xf32, #tpu.memory_space<vmem>>
      %dma_start3A_437 = arith.constant 0 : i32
      %dma_start3A_438 = tpu.memref_slice %arg2[%add3A_431, %dma_start3A_437] : memref<262144x128xf32, #tpu.memory_space<hbm>> -> memref<256x128xf32, #tpu.memory_space<hbm>>
      %dma_start3A_439 = arith.constant 0 : i32
      %dma_start3A_440 = arith.constant 0 : i32
      %dma_start3A_441 = tpu.memref_slice %arg4[%dma_start3A_432, %dma_start3A_439, %dma_start3A_440] : memref<2x256x128xf32, #tpu.memory_space<vmem>> -> memref<1x256x128xf32, #tpu.memory_space<vmem>>
      %dma_start3A_442 = tpu.memref_squeeze %dma_start3A_441 : memref<1x256x128xf32, #tpu.memory_space<vmem>> -> memref<256x128xf32, #tpu.memory_space<vmem>>
      %dma_start3A_443 = arith.constant 0 : i32
      %dma_start3A_444 = tpu.memref_slice %arg2[%add3A_431, %dma_start3A_443] : memref<262144x128xf32, #tpu.memory_space<hbm>> -> memref<256x128xf32, #tpu.memory_space<hbm>>
      tpu.enqueue_dma source(%dma_start3A_444 : memref<256x128xf32, #tpu.memory_space<hbm>>) target(%dma_start3A_442 : memref<256x128xf32, #tpu.memory_space<vmem>>) target_semaphore(%arg8 : memref<!tpu.dma_semaphore, #tpu.memory_space<semaphore_mem>>)
      %scan3A_445 = arith.constant 0 : i32
      %scan3A_446 = arith.constant 0 : i32
      %scan3A_447 = arith.constant 256 : i32
      %scan3A_448 = arith.addi %scan3A_446, %scan3A_447 : i32
      %scan3A_449 = arith.constant 4 : i32
      %scan3A_450:16 = scf.for %scan3A_483 = %scan3A_446 to %scan3A_448 step %scan3A_449 iter_args(%scan3A_484 = %scan3A_391, %scan3A_485 = %scan3A_392, %scan3A_486 = %scan3A_393, %scan3A_487 = %scan3A_394, %scan3A_488 = %scan3A_395, %scan3A_489 = %scan3A_396, %scan3A_490 = %scan3A_397, %scan3A_491 = %scan3A_398, %scan3A_492 = %scan3A_399, %scan3A_493 = %scan3A_400, %scan3A_494 = %scan3A_401, %scan3A_495 = %scan3A_402, %scan3A_496 = %scan3A_403, %scan3A_497 = %scan3A_404, %scan3A_498 = %scan3A_405, %scan3A_499 = %scan3A_406) -> (vector<16xi32>, vector<16xi32>, vector<16xi32>, vector<16xi32>, vector<16xi32>, vector<16xi32>, vector<16xi32>, vector<16xi32>, vector<16xi32>, vector<16xi32>, vector<16xi32>, vector<16xi32>, vector<16xi32>, vector<16xi32>, vector<16xi32>, vector<16xi32>)  : i32 {
        %mul3A_500 = arith.constant 1 : i32
        %mul3A_501 = arith.muli %scan3A_483, %mul3A_500 : i32
        %add3A_502 = arith.constant 0 : i32
        %add3A_503 = arith.addi %add3A_502, %mul3A_501 : i32
        %get3A_504 = arith.constant 0 : i32
        %get3A_505 = arith.constant 0 : i32
        %get3A_506 = tpu.memref_slice %arg4[%scan3A_445, %get3A_504, %get3A_505] : memref<2x256x128xf32, #tpu.memory_space<vmem>> -> memref<1x256x128xf32, #tpu.memory_space<vmem>>
        %get3A_507 = tpu.memref_squeeze %get3A_506 : memref<1x256x128xf32, #tpu.memory_space<vmem>> -> memref<256x128xf32, #tpu.memory_space<vmem>>
        %get3A_508 = arith.index_cast %add3A_503 : i32 to index
        %get3A_509 = arith.constant 0 : index
        %get3A_510 = tpu.vector_load %get3A_507[%get3A_508, %get3A_509] {strides = array<i32>} : memref<256x128xf32, #tpu.memory_space<vmem>>, vector<1x16xf32>,
        %get3A_511 = vector.shape_cast %get3A_510 : vector<1x16xf32> to vector<16xf32>
        %gt3A_512 = arith.constant 0.000000e+00 : f32
        %gt3A_513 = vector.broadcast %gt3A_512 : f32 to vector<16xf32>
        %gt3A_514 = arith.cmpf ogt, %get3A_511, %gt3A_513 : vector<16xf32>
        %select_n3A_515 = arith.select %gt3A_514, %broadcast_in_dim3A_40, %broadcast_in_dim3A_38 : vector<16xi1>, vector<16xi32>
        %xor3A = arith.xori %select_n3A_515, %scan3A_492 : vector<16xi32>
        %add3A_516 = arith.addi %scan3A_484, %xor3A : vector<16xi32>
        %get3A_517 = arith.constant 0 : i32
        %get3A_518 = arith.constant 0 : i32
        %get3A_519 = tpu.memref_slice %arg4[%scan3A_445, %get3A_517, %get3A_518] : memref<2x256x128xf32, #tpu.memory_space<vmem>> -> memref<1x256x128xf32, #tpu.memory_space<vmem>>
        %get3A_520 = tpu.memref_squeeze %get3A_519 : memref<1x256x128xf32, #tpu.memory_space<vmem>> -> memref<256x128xf32, #tpu.memory_space<vmem>>
        %get3A_521 = arith.index_cast %add3A_503 : i32 to index
        %get3A_522 = arith.constant 16 : index
        %get3A_523 = tpu.vector_load %get3A_520[%get3A_521, %get3A_522] {strides = array<i32>} : memref<256x128xf32, #tpu.memory_space<vmem>>, vector<1x16xf32>,
        %get3A_524 = vector.shape_cast %get3A_523 : vector<1x16xf32> to vector<16xf32>
        %gt3A_525 = arith.constant 0.000000e+00 : f32
        %gt3A_526 = vector.broadcast %gt3A_525 : f32 to vector<16xf32>
        %gt3A_527 = arith.cmpf ogt, %get3A_524, %gt3A_526 : vector<16xf32>
        %select_n3A_528 = arith.select %gt3A_527, %broadcast_in_dim3A_40, %broadcast_in_dim3A_38 : vector<16xi1>, vector<16xi32>
        %xor3A_529 = arith.xori %select_n3A_528, %scan3A_493 : vector<16xi32>
        %add3A_530 = arith.addi %scan3A_485, %xor3A_529 : vector<16xi32>
        %get3A_531 = arith.constant 0 : i32
        %get3A_532 = arith.constant 0 : i32
        %get3A_533 = tpu.memref_slice %arg4[%scan3A_445, %get3A_531, %get3A_532] : memref<2x256x128xf32, #tpu.memory_space<vmem>> -> memref<1x256x128xf32, #tpu.memory_space<vmem>>
        %get3A_534 = tpu.memref_squeeze %get3A_533 : memref<1x256x128xf32, #tpu.memory_space<vmem>> -> memref<256x128xf32, #tpu.memory_space<vmem>>
        %get3A_535 = arith.index_cast %add3A_503 : i32 to index
        %get3A_536 = arith.constant 32 : index
        %get3A_537 = tpu.vector_load %get3A_534[%get3A_535, %get3A_536] {strides = array<i32>} : memref<256x128xf32, #tpu.memory_space<vmem>>, vector<1x16xf32>,
        %get3A_538 = vector.shape_cast %get3A_537 : vector<1x16xf32> to vector<16xf32>
        %gt3A_539 = arith.constant 0.000000e+00 : f32
        %gt3A_540 = vector.broadcast %gt3A_539 : f32 to vector<16xf32>
        %gt3A_541 = arith.cmpf ogt, %get3A_538, %gt3A_540 : vector<16xf32>
        %select_n3A_542 = arith.select %gt3A_541, %broadcast_in_dim3A_40, %broadcast_in_dim3A_38 : vector<16xi1>, vector<16xi32>
        %xor3A_543 = arith.xori %select_n3A_542, %scan3A_494 : vector<16xi32>
        %add3A_544 = arith.addi %scan3A_486, %xor3A_543 : vector<16xi32>
        %get3A_545 = arith.constant 0 : i32
        %get3A_546 = arith.constant 0 : i32
        %get3A_547 = tpu.memref_slice %arg4[%scan3A_445, %get3A_545, %get3A_546] : memref<2x256x128xf32, #tpu.memory_space<vmem>> -> memref<1x256x128xf32, #tpu.memory_space<vmem>>
        %get3A_548 = tpu.memref_squeeze %get3A_547 : memref<1x256x128xf32, #tpu.memory_space<vmem>> -> memref<256x128xf32, #tpu.memory_space<vmem>>
        %get3A_549 = arith.index_cast %add3A_503 : i32 to index
        %get3A_550 = arith.constant 48 : index
        %get3A_551 = tpu.vector_load %get3A_548[%get3A_549, %get3A_550] {strides = array<i32>} : memref<256x128xf32, #tpu.memory_space<vmem>>, vector<1x16xf32>,
        %get3A_552 = vector.shape_cast %get3A_551 : vector<1x16xf32> to vector<16xf32>
        %gt3A_553 = arith.constant 0.000000e+00 : f32
        %gt3A_554 = vector.broadcast %gt3A_553 : f32 to vector<16xf32>
        %gt3A_555 = arith.cmpf ogt, %get3A_552, %gt3A_554 : vector<16xf32>
        %select_n3A_556 = arith.select %gt3A_555, %broadcast_in_dim3A_40, %broadcast_in_dim3A_38 : vector<16xi1>, vector<16xi32>
        %xor3A_557 = arith.xori %select_n3A_556, %scan3A_495 : vector<16xi32>
        %add3A_558 = arith.addi %scan3A_487, %xor3A_557 : vector<16xi32>
        %get3A_559 = arith.constant 0 : i32
        %get3A_560 = arith.constant 0 : i32
        %get3A_561 = tpu.memref_slice %arg4[%scan3A_445, %get3A_559, %get3A_560] : memref<2x256x128xf32, #tpu.memory_space<vmem>> -> memref<1x256x128xf32, #tpu.memory_space<vmem>>
        %get3A_562 = tpu.memref_squeeze %get3A_561 : memref<1x256x128xf32, #tpu.memory_space<vmem>> -> memref<256x128xf32, #tpu.memory_space<vmem>>
        %get3A_563 = arith.index_cast %add3A_503 : i32 to index
        %get3A_564 = arith.constant 64 : index
        %get3A_565 = tpu.vector_load %get3A_562[%get3A_563, %get3A_564] {strides = array<i32>} : memref<256x128xf32, #tpu.memory_space<vmem>>, vector<1x16xf32>,
        %get3A_566 = vector.shape_cast %get3A_565 : vector<1x16xf32> to vector<16xf32>
        %gt3A_567 = arith.constant 0.000000e+00 : f32
        %gt3A_568 = vector.broadcast %gt3A_567 : f32 to vector<16xf32>
        %gt3A_569 = arith.cmpf ogt, %get3A_566, %gt3A_568 : vector<16xf32>
        %select_n3A_570 = arith.select %gt3A_569, %broadcast_in_dim3A_40, %broadcast_in_dim3A_38 : vector<16xi1>, vector<16xi32>
        %xor3A_571 = arith.xori %select_n3A_570, %scan3A_496 : vector<16xi32>
        %add3A_572 = arith.addi %scan3A_488, %xor3A_571 : vector<16xi32>
        %get3A_573 = arith.constant 0 : i32
        %get3A_574 = arith.constant 0 : i32
        %get3A_575 = tpu.memref_slice %arg4[%scan3A_445, %get3A_573, %get3A_574] : memref<2x256x128xf32, #tpu.memory_space<vmem>> -> memref<1x256x128xf32, #tpu.memory_space<vmem>>
        %get3A_576 = tpu.memref_squeeze %get3A_575 : memref<1x256x128xf32, #tpu.memory_space<vmem>> -> memref<256x128xf32, #tpu.memory_space<vmem>>
        %get3A_577 = arith.index_cast %add3A_503 : i32 to index
        %get3A_578 = arith.constant 80 : index
        %get3A_579 = tpu.vector_load %get3A_576[%get3A_577, %get3A_578] {strides = array<i32>} : memref<256x128xf32, #tpu.memory_space<vmem>>, vector<1x16xf32>,
        %get3A_580 = vector.shape_cast %get3A_579 : vector<1x16xf32> to vector<16xf32>
        %gt3A_581 = arith.constant 0.000000e+00 : f32
        %gt3A_582 = vector.broadcast %gt3A_581 : f32 to vector<16xf32>
        %gt3A_583 = arith.cmpf ogt, %get3A_580, %gt3A_582 : vector<16xf32>
        %select_n3A_584 = arith.select %gt3A_583, %broadcast_in_dim3A_40, %broadcast_in_dim3A_38 : vector<16xi1>, vector<16xi32>
        %xor3A_585 = arith.xori %select_n3A_584, %scan3A_497 : vector<16xi32>
        %add3A_586 = arith.addi %scan3A_489, %xor3A_585 : vector<16xi32>
        %get3A_587 = arith.constant 0 : i32
        %get3A_588 = arith.constant 0 : i32
        %get3A_589 = tpu.memref_slice %arg4[%scan3A_445, %get3A_587, %get3A_588] : memref<2x256x128xf32, #tpu.memory_space<vmem>> -> memref<1x256x128xf32, #tpu.memory_space<vmem>>
        %get3A_590 = tpu.memref_squeeze %get3A_589 : memref<1x256x128xf32, #tpu.memory_space<vmem>> -> memref<256x128xf32, #tpu.memory_space<vmem>>
        %get3A_591 = arith.index_cast %add3A_503 : i32 to index
        %get3A_592 = arith.constant 96 : index
        %get3A_593 = tpu.vector_load %get3A_590[%get3A_591, %get3A_592] {strides = array<i32>} : memref<256x128xf32, #tpu.memory_space<vmem>>, vector<1x16xf32>,
        %get3A_594 = vector.shape_cast %get3A_593 : vector<1x16xf32> to vector<16xf32>
        %gt3A_595 = arith.constant 0.000000e+00 : f32
        %gt3A_596 = vector.broadcast %gt3A_595 : f32 to vector<16xf32>
        %gt3A_597 = arith.cmpf ogt, %get3A_594, %gt3A_596 : vector<16xf32>
        %select_n3A_598 = arith.select %gt3A_597, %broadcast_in_dim3A_40, %broadcast_in_dim3A_38 : vector<16xi1>, vector<16xi32>
        %xor3A_599 = arith.xori %select_n3A_598, %scan3A_498 : vector<16xi32>
        %add3A_600 = arith.addi %scan3A_490, %xor3A_599 : vector<16xi32>
        %get3A_601 = arith.constant 0 : i32
        %get3A_602 = arith.constant 0 : i32
        %get3A_603 = tpu.memref_slice %arg4[%scan3A_445, %get3A_601, %get3A_602] : memref<2x256x128xf32, #tpu.memory_space<vmem>> -> memref<1x256x128xf32, #tpu.memory_space<vmem>>
        %get3A_604 = tpu.memref_squeeze %get3A_603 : memref<1x256x128xf32, #tpu.memory_space<vmem>> -> memref<256x128xf32, #tpu.memory_space<vmem>>
        %get3A_605 = arith.index_cast %add3A_503 : i32 to index
        %get3A_606 = arith.constant 112 : index
        %get3A_607 = tpu.vector_load %get3A_604[%get3A_605, %get3A_606] {strides = array<i32>} : memref<256x128xf32, #tpu.memory_space<vmem>>, vector<1x16xf32>,
        %get3A_608 = vector.shape_cast %get3A_607 : vector<1x16xf32> to vector<16xf32>
        %gt3A_609 = arith.constant 0.000000e+00 : f32
        %gt3A_610 = vector.broadcast %gt3A_609 : f32 to vector<16xf32>
        %gt3A_611 = arith.cmpf ogt, %get3A_608, %gt3A_610 : vector<16xf32>
        %select_n3A_612 = arith.select %gt3A_611, %broadcast_in_dim3A_40, %broadcast_in_dim3A_38 : vector<16xi1>, vector<16xi32>
        %xor3A_613 = arith.xori %select_n3A_612, %scan3A_499 : vector<16xi32>
        %add3A_614 = arith.addi %scan3A_491, %xor3A_613 : vector<16xi32>
        %scan3A_615 = arith.constant 1 : i32
        %scan3A_616 = arith.addi %scan3A_483, %scan3A_615 : i32
        %mul3A_617 = arith.constant 1 : i32
        %mul3A_618 = arith.muli %scan3A_616, %mul3A_617 : i32
        %add3A_619 = arith.constant 0 : i32
        %add3A_620 = arith.addi %add3A_619, %mul3A_618 : i32
        %get3A_621 = arith.constant 0 : i32
        %get3A_622 = arith.constant 0 : i32
        %get3A_623 = tpu.memref_slice %arg4[%scan3A_445, %get3A_621, %get3A_622] : memref<2x256x128xf32, #tpu.memory_space<vmem>> -> memref<1x256x128xf32, #tpu.memory_space<vmem>>
        %get3A_624 = tpu.memref_squeeze %get3A_623 : memref<1x256x128xf32, #tpu.memory_space<vmem>> -> memref<256x128xf32, #tpu.memory_space<vmem>>
        %get3A_625 = arith.index_cast %add3A_620 : i32 to index
        %get3A_626 = arith.constant 0 : index
        %get3A_627 = tpu.vector_load %get3A_624[%get3A_625, %get3A_626] {strides = array<i32>} : memref<256x128xf32, #tpu.memory_space<vmem>>, vector<1x16xf32>,
        %get3A_628 = vector.shape_cast %get3A_627 : vector<1x16xf32> to vector<16xf32>
        %gt3A_629 = arith.constant 0.000000e+00 : f32
        %gt3A_630 = vector.broadcast %gt3A_629 : f32 to vector<16xf32>
        %gt3A_631 = arith.cmpf ogt, %get3A_628, %gt3A_630 : vector<16xf32>
        %select_n3A_632 = arith.select %gt3A_631, %broadcast_in_dim3A_40, %broadcast_in_dim3A_38 : vector<16xi1>, vector<16xi32>
        %xor3A_633 = arith.xori %select_n3A_632, %select_n3A_515 : vector<16xi32>
        %add3A_634 = arith.addi %add3A_516, %xor3A_633 : vector<16xi32>
        %get3A_635 = arith.constant 0 : i32
        %get3A_636 = arith.constant 0 : i32
        %get3A_637 = tpu.memref_slice %arg4[%scan3A_445, %get3A_635, %get3A_636] : memref<2x256x128xf32, #tpu.memory_space<vmem>> -> memref<1x256x128xf32, #tpu.memory_space<vmem>>
        %get3A_638 = tpu.memref_squeeze %get3A_637 : memref<1x256x128xf32, #tpu.memory_space<vmem>> -> memref<256x128xf32, #tpu.memory_space<vmem>>
        %get3A_639 = arith.index_cast %add3A_620 : i32 to index
        %get3A_640 = arith.constant 16 : index
        %get3A_641 = tpu.vector_load %get3A_638[%get3A_639, %get3A_640] {strides = array<i32>} : memref<256x128xf32, #tpu.memory_space<vmem>>, vector<1x16xf32>,
        %get3A_642 = vector.shape_cast %get3A_641 : vector<1x16xf32> to vector<16xf32>
        %gt3A_643 = arith.constant 0.000000e+00 : f32
        %gt3A_644 = vector.broadcast %gt3A_643 : f32 to vector<16xf32>
        %gt3A_645 = arith.cmpf ogt, %get3A_642, %gt3A_644 : vector<16xf32>
        %select_n3A_646 = arith.select %gt3A_645, %broadcast_in_dim3A_40, %broadcast_in_dim3A_38 : vector<16xi1>, vector<16xi32>
        %xor3A_647 = arith.xori %select_n3A_646, %select_n3A_528 : vector<16xi32>
        %add3A_648 = arith.addi %add3A_530, %xor3A_647 : vector<16xi32>
        %get3A_649 = arith.constant 0 : i32
        %get3A_650 = arith.constant 0 : i32
        %get3A_651 = tpu.memref_slice %arg4[%scan3A_445, %get3A_649, %get3A_650] : memref<2x256x128xf32, #tpu.memory_space<vmem>> -> memref<1x256x128xf32, #tpu.memory_space<vmem>>
        %get3A_652 = tpu.memref_squeeze %get3A_651 : memref<1x256x128xf32, #tpu.memory_space<vmem>> -> memref<256x128xf32, #tpu.memory_space<vmem>>
        %get3A_653 = arith.index_cast %add3A_620 : i32 to index
        %get3A_654 = arith.constant 32 : index
        %get3A_655 = tpu.vector_load %get3A_652[%get3A_653, %get3A_654] {strides = array<i32>} : memref<256x128xf32, #tpu.memory_space<vmem>>, vector<1x16xf32>,
        %get3A_656 = vector.shape_cast %get3A_655 : vector<1x16xf32> to vector<16xf32>
        %gt3A_657 = arith.constant 0.000000e+00 : f32
        %gt3A_658 = vector.broadcast %gt3A_657 : f32 to vector<16xf32>
        %gt3A_659 = arith.cmpf ogt, %get3A_656, %gt3A_658 : vector<16xf32>
        %select_n3A_660 = arith.select %gt3A_659, %broadcast_in_dim3A_40, %broadcast_in_dim3A_38 : vector<16xi1>, vector<16xi32>
        %xor3A_661 = arith.xori %select_n3A_660, %select_n3A_542 : vector<16xi32>
        %add3A_662 = arith.addi %add3A_544, %xor3A_661 : vector<16xi32>
        %get3A_663 = arith.constant 0 : i32
        %get3A_664 = arith.constant 0 : i32
        %get3A_665 = tpu.memref_slice %arg4[%scan3A_445, %get3A_663, %get3A_664] : memref<2x256x128xf32, #tpu.memory_space<vmem>> -> memref<1x256x128xf32, #tpu.memory_space<vmem>>
        %get3A_666 = tpu.memref_squeeze %get3A_665 : memref<1x256x128xf32, #tpu.memory_space<vmem>> -> memref<256x128xf32, #tpu.memory_space<vmem>>
        %get3A_667 = arith.index_cast %add3A_620 : i32 to index
        %get3A_668 = arith.constant 48 : index
        %get3A_669 = tpu.vector_load %get3A_666[%get3A_667, %get3A_668] {strides = array<i32>} : memref<256x128xf32, #tpu.memory_space<vmem>>, vector<1x16xf32>,
        %get3A_670 = vector.shape_cast %get3A_669 : vector<1x16xf32> to vector<16xf32>
        %gt3A_671 = arith.constant 0.000000e+00 : f32
        %gt3A_672 = vector.broadcast %gt3A_671 : f32 to vector<16xf32>
        %gt3A_673 = arith.cmpf ogt, %get3A_670, %gt3A_672 : vector<16xf32>
        %select_n3A_674 = arith.select %gt3A_673, %broadcast_in_dim3A_40, %broadcast_in_dim3A_38 : vector<16xi1>, vector<16xi32>
        %xor3A_675 = arith.xori %select_n3A_674, %select_n3A_556 : vector<16xi32>
        %add3A_676 = arith.addi %add3A_558, %xor3A_675 : vector<16xi32>
        %get3A_677 = arith.constant 0 : i32
        %get3A_678 = arith.constant 0 : i32
        %get3A_679 = tpu.memref_slice %arg4[%scan3A_445, %get3A_677, %get3A_678] : memref<2x256x128xf32, #tpu.memory_space<vmem>> -> memref<1x256x128xf32, #tpu.memory_space<vmem>>
        %get3A_680 = tpu.memref_squeeze %get3A_679 : memref<1x256x128xf32, #tpu.memory_space<vmem>> -> memref<256x128xf32, #tpu.memory_space<vmem>>
        %get3A_681 = arith.index_cast %add3A_620 : i32 to index
        %get3A_682 = arith.constant 64 : index
        %get3A_683 = tpu.vector_load %get3A_680[%get3A_681, %get3A_682] {strides = array<i32>} : memref<256x128xf32, #tpu.memory_space<vmem>>, vector<1x16xf32>,
        %get3A_684 = vector.shape_cast %get3A_683 : vector<1x16xf32> to vector<16xf32>
        %gt3A_685 = arith.constant 0.000000e+00 : f32
        %gt3A_686 = vector.broadcast %gt3A_685 : f32 to vector<16xf32>
        %gt3A_687 = arith.cmpf ogt, %get3A_684, %gt3A_686 : vector<16xf32>
        %select_n3A_688 = arith.select %gt3A_687, %broadcast_in_dim3A_40, %broadcast_in_dim3A_38 : vector<16xi1>, vector<16xi32>
        %xor3A_689 = arith.xori %select_n3A_688, %select_n3A_570 : vector<16xi32>
        %add3A_690 = arith.addi %add3A_572, %xor3A_689 : vector<16xi32>
        %get3A_691 = arith.constant 0 : i32
        %get3A_692 = arith.constant 0 : i32
        %get3A_693 = tpu.memref_slice %arg4[%scan3A_445, %get3A_691, %get3A_692] : memref<2x256x128xf32, #tpu.memory_space<vmem>> -> memref<1x256x128xf32, #tpu.memory_space<vmem>>
        %get3A_694 = tpu.memref_squeeze %get3A_693 : memref<1x256x128xf32, #tpu.memory_space<vmem>> -> memref<256x128xf32, #tpu.memory_space<vmem>>
        %get3A_695 = arith.index_cast %add3A_620 : i32 to index
        %get3A_696 = arith.constant 80 : index
        %get3A_697 = tpu.vector_load %get3A_694[%get3A_695, %get3A_696] {strides = array<i32>} : memref<256x128xf32, #tpu.memory_space<vmem>>, vector<1x16xf32>,
        %get3A_698 = vector.shape_cast %get3A_697 : vector<1x16xf32> to vector<16xf32>
        %gt3A_699 = arith.constant 0.000000e+00 : f32
        %gt3A_700 = vector.broadcast %gt3A_699 : f32 to vector<16xf32>
        %gt3A_701 = arith.cmpf ogt, %get3A_698, %gt3A_700 : vector<16xf32>
        %select_n3A_702 = arith.select %gt3A_701, %broadcast_in_dim3A_40, %broadcast_in_dim3A_38 : vector<16xi1>, vector<16xi32>
        %xor3A_703 = arith.xori %select_n3A_702, %select_n3A_584 : vector<16xi32>
        %add3A_704 = arith.addi %add3A_586, %xor3A_703 : vector<16xi32>
        %get3A_705 = arith.constant 0 : i32
        %get3A_706 = arith.constant 0 : i32
        %get3A_707 = tpu.memref_slice %arg4[%scan3A_445, %get3A_705, %get3A_706] : memref<2x256x128xf32, #tpu.memory_space<vmem>> -> memref<1x256x128xf32, #tpu.memory_space<vmem>>
        %get3A_708 = tpu.memref_squeeze %get3A_707 : memref<1x256x128xf32, #tpu.memory_space<vmem>> -> memref<256x128xf32, #tpu.memory_space<vmem>>
        %get3A_709 = arith.index_cast %add3A_620 : i32 to index
        %get3A_710 = arith.constant 96 : index
        %get3A_711 = tpu.vector_load %get3A_708[%get3A_709, %get3A_710] {strides = array<i32>} : memref<256x128xf32, #tpu.memory_space<vmem>>, vector<1x16xf32>,
        %get3A_712 = vector.shape_cast %get3A_711 : vector<1x16xf32> to vector<16xf32>
        %gt3A_713 = arith.constant 0.000000e+00 : f32
        %gt3A_714 = vector.broadcast %gt3A_713 : f32 to vector<16xf32>
        %gt3A_715 = arith.cmpf ogt, %get3A_712, %gt3A_714 : vector<16xf32>
        %select_n3A_716 = arith.select %gt3A_715, %broadcast_in_dim3A_40, %broadcast_in_dim3A_38 : vector<16xi1>, vector<16xi32>
        %xor3A_717 = arith.xori %select_n3A_716, %select_n3A_598 : vector<16xi32>
        %add3A_718 = arith.addi %add3A_600, %xor3A_717 : vector<16xi32>
        %get3A_719 = arith.constant 0 : i32
        %get3A_720 = arith.constant 0 : i32
        %get3A_721 = tpu.memref_slice %arg4[%scan3A_445, %get3A_719, %get3A_720] : memref<2x256x128xf32, #tpu.memory_space<vmem>> -> memref<1x256x128xf32, #tpu.memory_space<vmem>>
        %get3A_722 = tpu.memref_squeeze %get3A_721 : memref<1x256x128xf32, #tpu.memory_space<vmem>> -> memref<256x128xf32, #tpu.memory_space<vmem>>
        %get3A_723 = arith.index_cast %add3A_620 : i32 to index
        %get3A_724 = arith.constant 112 : index
        %get3A_725 = tpu.vector_load %get3A_722[%get3A_723, %get3A_724] {strides = array<i32>} : memref<256x128xf32, #tpu.memory_space<vmem>>, vector<1x16xf32>,
        %get3A_726 = vector.shape_cast %get3A_725 : vector<1x16xf32> to vector<16xf32>
        %gt3A_727 = arith.constant 0.000000e+00 : f32
        %gt3A_728 = vector.broadcast %gt3A_727 : f32 to vector<16xf32>
        %gt3A_729 = arith.cmpf ogt, %get3A_726, %gt3A_728 : vector<16xf32>
        %select_n3A_730 = arith.select %gt3A_729, %broadcast_in_dim3A_40, %broadcast_in_dim3A_38 : vector<16xi1>, vector<16xi32>
        %xor3A_731 = arith.xori %select_n3A_730, %select_n3A_612 : vector<16xi32>
        %add3A_732 = arith.addi %add3A_614, %xor3A_731 : vector<16xi32>
        %scan3A_733 = arith.constant 2 : i32
        %scan3A_734 = arith.addi %scan3A_483, %scan3A_733 : i32
        %mul3A_735 = arith.constant 1 : i32
        %mul3A_736 = arith.muli %scan3A_734, %mul3A_735 : i32
        %add3A_737 = arith.constant 0 : i32
        %add3A_738 = arith.addi %add3A_737, %mul3A_736 : i32
        %get3A_739 = arith.constant 0 : i32
        %get3A_740 = arith.constant 0 : i32
        %get3A_741 = tpu.memref_slice %arg4[%scan3A_445, %get3A_739, %get3A_740] : memref<2x256x128xf32, #tpu.memory_space<vmem>> -> memref<1x256x128xf32, #tpu.memory_space<vmem>>
        %get3A_742 = tpu.memref_squeeze %get3A_741 : memref<1x256x128xf32, #tpu.memory_space<vmem>> -> memref<256x128xf32, #tpu.memory_space<vmem>>
        %get3A_743 = arith.index_cast %add3A_738 : i32 to index
        %get3A_744 = arith.constant 0 : index
        %get3A_745 = tpu.vector_load %get3A_742[%get3A_743, %get3A_744] {strides = array<i32>} : memref<256x128xf32, #tpu.memory_space<vmem>>, vector<1x16xf32>,
        %get3A_746 = vector.shape_cast %get3A_745 : vector<1x16xf32> to vector<16xf32>
        %gt3A_747 = arith.constant 0.000000e+00 : f32
        %gt3A_748 = vector.broadcast %gt3A_747 : f32 to vector<16xf32>
        %gt3A_749 = arith.cmpf ogt, %get3A_746, %gt3A_748 : vector<16xf32>
        %select_n3A_750 = arith.select %gt3A_749, %broadcast_in_dim3A_40, %broadcast_in_dim3A_38 : vector<16xi1>, vector<16xi32>
        %xor3A_751 = arith.xori %select_n3A_750, %select_n3A_632 : vector<16xi32>
        %add3A_752 = arith.addi %add3A_634, %xor3A_751 : vector<16xi32>
        %get3A_753 = arith.constant 0 : i32
        %get3A_754 = arith.constant 0 : i32
        %get3A_755 = tpu.memref_slice %arg4[%scan3A_445, %get3A_753, %get3A_754] : memref<2x256x128xf32, #tpu.memory_space<vmem>> -> memref<1x256x128xf32, #tpu.memory_space<vmem>>
        %get3A_756 = tpu.memref_squeeze %get3A_755 : memref<1x256x128xf32, #tpu.memory_space<vmem>> -> memref<256x128xf32, #tpu.memory_space<vmem>>
        %get3A_757 = arith.index_cast %add3A_738 : i32 to index
        %get3A_758 = arith.constant 16 : index
        %get3A_759 = tpu.vector_load %get3A_756[%get3A_757, %get3A_758] {strides = array<i32>} : memref<256x128xf32, #tpu.memory_space<vmem>>, vector<1x16xf32>,
        %get3A_760 = vector.shape_cast %get3A_759 : vector<1x16xf32> to vector<16xf32>
        %gt3A_761 = arith.constant 0.000000e+00 : f32
        %gt3A_762 = vector.broadcast %gt3A_761 : f32 to vector<16xf32>
        %gt3A_763 = arith.cmpf ogt, %get3A_760, %gt3A_762 : vector<16xf32>
        %select_n3A_764 = arith.select %gt3A_763, %broadcast_in_dim3A_40, %broadcast_in_dim3A_38 : vector<16xi1>, vector<16xi32>
        %xor3A_765 = arith.xori %select_n3A_764, %select_n3A_646 : vector<16xi32>
        %add3A_766 = arith.addi %add3A_648, %xor3A_765 : vector<16xi32>
        %get3A_767 = arith.constant 0 : i32
        %get3A_768 = arith.constant 0 : i32
        %get3A_769 = tpu.memref_slice %arg4[%scan3A_445, %get3A_767, %get3A_768] : memref<2x256x128xf32, #tpu.memory_space<vmem>> -> memref<1x256x128xf32, #tpu.memory_space<vmem>>
        %get3A_770 = tpu.memref_squeeze %get3A_769 : memref<1x256x128xf32, #tpu.memory_space<vmem>> -> memref<256x128xf32, #tpu.memory_space<vmem>>
        %get3A_771 = arith.index_cast %add3A_738 : i32 to index
        %get3A_772 = arith.constant 32 : index
        %get3A_773 = tpu.vector_load %get3A_770[%get3A_771, %get3A_772] {strides = array<i32>} : memref<256x128xf32, #tpu.memory_space<vmem>>, vector<1x16xf32>,
        %get3A_774 = vector.shape_cast %get3A_773 : vector<1x16xf32> to vector<16xf32>
        %gt3A_775 = arith.constant 0.000000e+00 : f32
        %gt3A_776 = vector.broadcast %gt3A_775 : f32 to vector<16xf32>
        %gt3A_777 = arith.cmpf ogt, %get3A_774, %gt3A_776 : vector<16xf32>
        %select_n3A_778 = arith.select %gt3A_777, %broadcast_in_dim3A_40, %broadcast_in_dim3A_38 : vector<16xi1>, vector<16xi32>
        %xor3A_779 = arith.xori %select_n3A_778, %select_n3A_660 : vector<16xi32>
        %add3A_780 = arith.addi %add3A_662, %xor3A_779 : vector<16xi32>
        %get3A_781 = arith.constant 0 : i32
        %get3A_782 = arith.constant 0 : i32
        %get3A_783 = tpu.memref_slice %arg4[%scan3A_445, %get3A_781, %get3A_782] : memref<2x256x128xf32, #tpu.memory_space<vmem>> -> memref<1x256x128xf32, #tpu.memory_space<vmem>>
        %get3A_784 = tpu.memref_squeeze %get3A_783 : memref<1x256x128xf32, #tpu.memory_space<vmem>> -> memref<256x128xf32, #tpu.memory_space<vmem>>
        %get3A_785 = arith.index_cast %add3A_738 : i32 to index
        %get3A_786 = arith.constant 48 : index
        %get3A_787 = tpu.vector_load %get3A_784[%get3A_785, %get3A_786] {strides = array<i32>} : memref<256x128xf32, #tpu.memory_space<vmem>>, vector<1x16xf32>,
        %get3A_788 = vector.shape_cast %get3A_787 : vector<1x16xf32> to vector<16xf32>
        %gt3A_789 = arith.constant 0.000000e+00 : f32
        %gt3A_790 = vector.broadcast %gt3A_789 : f32 to vector<16xf32>
        %gt3A_791 = arith.cmpf ogt, %get3A_788, %gt3A_790 : vector<16xf32>
        %select_n3A_792 = arith.select %gt3A_791, %broadcast_in_dim3A_40, %broadcast_in_dim3A_38 : vector<16xi1>, vector<16xi32>
        %xor3A_793 = arith.xori %select_n3A_792, %select_n3A_674 : vector<16xi32>
        %add3A_794 = arith.addi %add3A_676, %xor3A_793 : vector<16xi32>
        %get3A_795 = arith.constant 0 : i32
        %get3A_796 = arith.constant 0 : i32
        %get3A_797 = tpu.memref_slice %arg4[%scan3A_445, %get3A_795, %get3A_796] : memref<2x256x128xf32, #tpu.memory_space<vmem>> -> memref<1x256x128xf32, #tpu.memory_space<vmem>>
        %get3A_798 = tpu.memref_squeeze %get3A_797 : memref<1x256x128xf32, #tpu.memory_space<vmem>> -> memref<256x128xf32, #tpu.memory_space<vmem>>
        %get3A_799 = arith.index_cast %add3A_738 : i32 to index
        %get3A_800 = arith.constant 64 : index
        %get3A_801 = tpu.vector_load %get3A_798[%get3A_799, %get3A_800] {strides = array<i32>} : memref<256x128xf32, #tpu.memory_space<vmem>>, vector<1x16xf32>,
        %get3A_802 = vector.shape_cast %get3A_801 : vector<1x16xf32> to vector<16xf32>
        %gt3A_803 = arith.constant 0.000000e+00 : f32
        %gt3A_804 = vector.broadcast %gt3A_803 : f32 to vector<16xf32>
        %gt3A_805 = arith.cmpf ogt, %get3A_802, %gt3A_804 : vector<16xf32>
        %select_n3A_806 = arith.select %gt3A_805, %broadcast_in_dim3A_40, %broadcast_in_dim3A_38 : vector<16xi1>, vector<16xi32>
        %xor3A_807 = arith.xori %select_n3A_806, %select_n3A_688 : vector<16xi32>
        %add3A_808 = arith.addi %add3A_690, %xor3A_807 : vector<16xi32>
        %get3A_809 = arith.constant 0 : i32
        %get3A_810 = arith.constant 0 : i32
        %get3A_811 = tpu.memref_slice %arg4[%scan3A_445, %get3A_809, %get3A_810] : memref<2x256x128xf32, #tpu.memory_space<vmem>> -> memref<1x256x128xf32, #tpu.memory_space<vmem>>
        %get3A_812 = tpu.memref_squeeze %get3A_811 : memref<1x256x128xf32, #tpu.memory_space<vmem>> -> memref<256x128xf32, #tpu.memory_space<vmem>>
        %get3A_813 = arith.index_cast %add3A_738 : i32 to index
        %get3A_814 = arith.constant 80 : index
        %get3A_815 = tpu.vector_load %get3A_812[%get3A_813, %get3A_814] {strides = array<i32>} : memref<256x128xf32, #tpu.memory_space<vmem>>, vector<1x16xf32>,
        %get3A_816 = vector.shape_cast %get3A_815 : vector<1x16xf32> to vector<16xf32>
        %gt3A_817 = arith.constant 0.000000e+00 : f32
        %gt3A_818 = vector.broadcast %gt3A_817 : f32 to vector<16xf32>
        %gt3A_819 = arith.cmpf ogt, %get3A_816, %gt3A_818 : vector<16xf32>
        %select_n3A_820 = arith.select %gt3A_819, %broadcast_in_dim3A_40, %broadcast_in_dim3A_38 : vector<16xi1>, vector<16xi32>
        %xor3A_821 = arith.xori %select_n3A_820, %select_n3A_702 : vector<16xi32>
        %add3A_822 = arith.addi %add3A_704, %xor3A_821 : vector<16xi32>
        %get3A_823 = arith.constant 0 : i32
        %get3A_824 = arith.constant 0 : i32
        %get3A_825 = tpu.memref_slice %arg4[%scan3A_445, %get3A_823, %get3A_824] : memref<2x256x128xf32, #tpu.memory_space<vmem>> -> memref<1x256x128xf32, #tpu.memory_space<vmem>>
        %get3A_826 = tpu.memref_squeeze %get3A_825 : memref<1x256x128xf32, #tpu.memory_space<vmem>> -> memref<256x128xf32, #tpu.memory_space<vmem>>
        %get3A_827 = arith.index_cast %add3A_738 : i32 to index
        %get3A_828 = arith.constant 96 : index
        %get3A_829 = tpu.vector_load %get3A_826[%get3A_827, %get3A_828] {strides = array<i32>} : memref<256x128xf32, #tpu.memory_space<vmem>>, vector<1x16xf32>,
        %get3A_830 = vector.shape_cast %get3A_829 : vector<1x16xf32> to vector<16xf32>
        %gt3A_831 = arith.constant 0.000000e+00 : f32
        %gt3A_832 = vector.broadcast %gt3A_831 : f32 to vector<16xf32>
        %gt3A_833 = arith.cmpf ogt, %get3A_830, %gt3A_832 : vector<16xf32>
        %select_n3A_834 = arith.select %gt3A_833, %broadcast_in_dim3A_40, %broadcast_in_dim3A_38 : vector<16xi1>, vector<16xi32>
        %xor3A_835 = arith.xori %select_n3A_834, %select_n3A_716 : vector<16xi32>
        %add3A_836 = arith.addi %add3A_718, %xor3A_835 : vector<16xi32>
        %get3A_837 = arith.constant 0 : i32
        %get3A_838 = arith.constant 0 : i32
        %get3A_839 = tpu.memref_slice %arg4[%scan3A_445, %get3A_837, %get3A_838] : memref<2x256x128xf32, #tpu.memory_space<vmem>> -> memref<1x256x128xf32, #tpu.memory_space<vmem>>
        %get3A_840 = tpu.memref_squeeze %get3A_839 : memref<1x256x128xf32, #tpu.memory_space<vmem>> -> memref<256x128xf32, #tpu.memory_space<vmem>>
        %get3A_841 = arith.index_cast %add3A_738 : i32 to index
        %get3A_842 = arith.constant 112 : index
        %get3A_843 = tpu.vector_load %get3A_840[%get3A_841, %get3A_842] {strides = array<i32>} : memref<256x128xf32, #tpu.memory_space<vmem>>, vector<1x16xf32>,
        %get3A_844 = vector.shape_cast %get3A_843 : vector<1x16xf32> to vector<16xf32>
        %gt3A_845 = arith.constant 0.000000e+00 : f32
        %gt3A_846 = vector.broadcast %gt3A_845 : f32 to vector<16xf32>
        %gt3A_847 = arith.cmpf ogt, %get3A_844, %gt3A_846 : vector<16xf32>
        %select_n3A_848 = arith.select %gt3A_847, %broadcast_in_dim3A_40, %broadcast_in_dim3A_38 : vector<16xi1>, vector<16xi32>
        %xor3A_849 = arith.xori %select_n3A_848, %select_n3A_730 : vector<16xi32>
        %add3A_850 = arith.addi %add3A_732, %xor3A_849 : vector<16xi32>
        %scan3A_851 = arith.constant 3 : i32
        %scan3A_852 = arith.addi %scan3A_483, %scan3A_851 : i32
        %mul3A_853 = arith.constant 1 : i32
        %mul3A_854 = arith.muli %scan3A_852, %mul3A_853 : i32
        %add3A_855 = arith.constant 0 : i32
        %add3A_856 = arith.addi %add3A_855, %mul3A_854 : i32
        %get3A_857 = arith.constant 0 : i32
        %get3A_858 = arith.constant 0 : i32
        %get3A_859 = tpu.memref_slice %arg4[%scan3A_445, %get3A_857, %get3A_858] : memref<2x256x128xf32, #tpu.memory_space<vmem>> -> memref<1x256x128xf32, #tpu.memory_space<vmem>>
        %get3A_860 = tpu.memref_squeeze %get3A_859 : memref<1x256x128xf32, #tpu.memory_space<vmem>> -> memref<256x128xf32, #tpu.memory_space<vmem>>
        %get3A_861 = arith.index_cast %add3A_856 : i32 to index
        %get3A_862 = arith.constant 0 : index
        %get3A_863 = tpu.vector_load %get3A_860[%get3A_861, %get3A_862] {strides = array<i32>} : memref<256x128xf32, #tpu.memory_space<vmem>>, vector<1x16xf32>,
        %get3A_864 = vector.shape_cast %get3A_863 : vector<1x16xf32> to vector<16xf32>
        %gt3A_865 = arith.constant 0.000000e+00 : f32
        %gt3A_866 = vector.broadcast %gt3A_865 : f32 to vector<16xf32>
        %gt3A_867 = arith.cmpf ogt, %get3A_864, %gt3A_866 : vector<16xf32>
        %select_n3A_868 = arith.select %gt3A_867, %broadcast_in_dim3A_40, %broadcast_in_dim3A_38 : vector<16xi1>, vector<16xi32>
        %xor3A_869 = arith.xori %select_n3A_868, %select_n3A_750 : vector<16xi32>
        %add3A_870 = arith.addi %add3A_752, %xor3A_869 : vector<16xi32>
        %get3A_871 = arith.constant 0 : i32
        %get3A_872 = arith.constant 0 : i32
        %get3A_873 = tpu.memref_slice %arg4[%scan3A_445, %get3A_871, %get3A_872] : memref<2x256x128xf32, #tpu.memory_space<vmem>> -> memref<1x256x128xf32, #tpu.memory_space<vmem>>
        %get3A_874 = tpu.memref_squeeze %get3A_873 : memref<1x256x128xf32, #tpu.memory_space<vmem>> -> memref<256x128xf32, #tpu.memory_space<vmem>>
        %get3A_875 = arith.index_cast %add3A_856 : i32 to index
        %get3A_876 = arith.constant 16 : index
        %get3A_877 = tpu.vector_load %get3A_874[%get3A_875, %get3A_876] {strides = array<i32>} : memref<256x128xf32, #tpu.memory_space<vmem>>, vector<1x16xf32>,
        %get3A_878 = vector.shape_cast %get3A_877 : vector<1x16xf32> to vector<16xf32>
        %gt3A_879 = arith.constant 0.000000e+00 : f32
        %gt3A_880 = vector.broadcast %gt3A_879 : f32 to vector<16xf32>
        %gt3A_881 = arith.cmpf ogt, %get3A_878, %gt3A_880 : vector<16xf32>
        %select_n3A_882 = arith.select %gt3A_881, %broadcast_in_dim3A_40, %broadcast_in_dim3A_38 : vector<16xi1>, vector<16xi32>
        %xor3A_883 = arith.xori %select_n3A_882, %select_n3A_764 : vector<16xi32>
        %add3A_884 = arith.addi %add3A_766, %xor3A_883 : vector<16xi32>
        %get3A_885 = arith.constant 0 : i32
        %get3A_886 = arith.constant 0 : i32
        %get3A_887 = tpu.memref_slice %arg4[%scan3A_445, %get3A_885, %get3A_886] : memref<2x256x128xf32, #tpu.memory_space<vmem>> -> memref<1x256x128xf32, #tpu.memory_space<vmem>>
        %get3A_888 = tpu.memref_squeeze %get3A_887 : memref<1x256x128xf32, #tpu.memory_space<vmem>> -> memref<256x128xf32, #tpu.memory_space<vmem>>
        %get3A_889 = arith.index_cast %add3A_856 : i32 to index
        %get3A_890 = arith.constant 32 : index
        %get3A_891 = tpu.vector_load %get3A_888[%get3A_889, %get3A_890] {strides = array<i32>} : memref<256x128xf32, #tpu.memory_space<vmem>>, vector<1x16xf32>,
        %get3A_892 = vector.shape_cast %get3A_891 : vector<1x16xf32> to vector<16xf32>
        %gt3A_893 = arith.constant 0.000000e+00 : f32
        %gt3A_894 = vector.broadcast %gt3A_893 : f32 to vector<16xf32>
        %gt3A_895 = arith.cmpf ogt, %get3A_892, %gt3A_894 : vector<16xf32>
        %select_n3A_896 = arith.select %gt3A_895, %broadcast_in_dim3A_40, %broadcast_in_dim3A_38 : vector<16xi1>, vector<16xi32>
        %xor3A_897 = arith.xori %select_n3A_896, %select_n3A_778 : vector<16xi32>
        %add3A_898 = arith.addi %add3A_780, %xor3A_897 : vector<16xi32>
        %get3A_899 = arith.constant 0 : i32
        %get3A_900 = arith.constant 0 : i32
        %get3A_901 = tpu.memref_slice %arg4[%scan3A_445, %get3A_899, %get3A_900] : memref<2x256x128xf32, #tpu.memory_space<vmem>> -> memref<1x256x128xf32, #tpu.memory_space<vmem>>
        %get3A_902 = tpu.memref_squeeze %get3A_901 : memref<1x256x128xf32, #tpu.memory_space<vmem>> -> memref<256x128xf32, #tpu.memory_space<vmem>>
        %get3A_903 = arith.index_cast %add3A_856 : i32 to index
        %get3A_904 = arith.constant 48 : index
        %get3A_905 = tpu.vector_load %get3A_902[%get3A_903, %get3A_904] {strides = array<i32>} : memref<256x128xf32, #tpu.memory_space<vmem>>, vector<1x16xf32>,
        %get3A_906 = vector.shape_cast %get3A_905 : vector<1x16xf32> to vector<16xf32>
        %gt3A_907 = arith.constant 0.000000e+00 : f32
        %gt3A_908 = vector.broadcast %gt3A_907 : f32 to vector<16xf32>
        %gt3A_909 = arith.cmpf ogt, %get3A_906, %gt3A_908 : vector<16xf32>
        %select_n3A_910 = arith.select %gt3A_909, %broadcast_in_dim3A_40, %broadcast_in_dim3A_38 : vector<16xi1>, vector<16xi32>
        %xor3A_911 = arith.xori %select_n3A_910, %select_n3A_792 : vector<16xi32>
        %add3A_912 = arith.addi %add3A_794, %xor3A_911 : vector<16xi32>
        %get3A_913 = arith.constant 0 : i32
        %get3A_914 = arith.constant 0 : i32
        %get3A_915 = tpu.memref_slice %arg4[%scan3A_445, %get3A_913, %get3A_914] : memref<2x256x128xf32, #tpu.memory_space<vmem>> -> memref<1x256x128xf32, #tpu.memory_space<vmem>>
        %get3A_916 = tpu.memref_squeeze %get3A_915 : memref<1x256x128xf32, #tpu.memory_space<vmem>> -> memref<256x128xf32, #tpu.memory_space<vmem>>
        %get3A_917 = arith.index_cast %add3A_856 : i32 to index
        %get3A_918 = arith.constant 64 : index
        %get3A_919 = tpu.vector_load %get3A_916[%get3A_917, %get3A_918] {strides = array<i32>} : memref<256x128xf32, #tpu.memory_space<vmem>>, vector<1x16xf32>,
        %get3A_920 = vector.shape_cast %get3A_919 : vector<1x16xf32> to vector<16xf32>
        %gt3A_921 = arith.constant 0.000000e+00 : f32
        %gt3A_922 = vector.broadcast %gt3A_921 : f32 to vector<16xf32>
        %gt3A_923 = arith.cmpf ogt, %get3A_920, %gt3A_922 : vector<16xf32>
        %select_n3A_924 = arith.select %gt3A_923, %broadcast_in_dim3A_40, %broadcast_in_dim3A_38 : vector<16xi1>, vector<16xi32>
        %xor3A_925 = arith.xori %select_n3A_924, %select_n3A_806 : vector<16xi32>
        %add3A_926 = arith.addi %add3A_808, %xor3A_925 : vector<16xi32>
        %get3A_927 = arith.constant 0 : i32
        %get3A_928 = arith.constant 0 : i32
        %get3A_929 = tpu.memref_slice %arg4[%scan3A_445, %get3A_927, %get3A_928] : memref<2x256x128xf32, #tpu.memory_space<vmem>> -> memref<1x256x128xf32, #tpu.memory_space<vmem>>
        %get3A_930 = tpu.memref_squeeze %get3A_929 : memref<1x256x128xf32, #tpu.memory_space<vmem>> -> memref<256x128xf32, #tpu.memory_space<vmem>>
        %get3A_931 = arith.index_cast %add3A_856 : i32 to index
        %get3A_932 = arith.constant 80 : index
        %get3A_933 = tpu.vector_load %get3A_930[%get3A_931, %get3A_932] {strides = array<i32>} : memref<256x128xf32, #tpu.memory_space<vmem>>, vector<1x16xf32>,
        %get3A_934 = vector.shape_cast %get3A_933 : vector<1x16xf32> to vector<16xf32>
        %gt3A_935 = arith.constant 0.000000e+00 : f32
        %gt3A_936 = vector.broadcast %gt3A_935 : f32 to vector<16xf32>
        %gt3A_937 = arith.cmpf ogt, %get3A_934, %gt3A_936 : vector<16xf32>
        %select_n3A_938 = arith.select %gt3A_937, %broadcast_in_dim3A_40, %broadcast_in_dim3A_38 : vector<16xi1>, vector<16xi32>
        %xor3A_939 = arith.xori %select_n3A_938, %select_n3A_820 : vector<16xi32>
        %add3A_940 = arith.addi %add3A_822, %xor3A_939 : vector<16xi32>
        %get3A_941 = arith.constant 0 : i32
        %get3A_942 = arith.constant 0 : i32
        %get3A_943 = tpu.memref_slice %arg4[%scan3A_445, %get3A_941, %get3A_942] : memref<2x256x128xf32, #tpu.memory_space<vmem>> -> memref<1x256x128xf32, #tpu.memory_space<vmem>>
        %get3A_944 = tpu.memref_squeeze %get3A_943 : memref<1x256x128xf32, #tpu.memory_space<vmem>> -> memref<256x128xf32, #tpu.memory_space<vmem>>
        %get3A_945 = arith.index_cast %add3A_856 : i32 to index
        %get3A_946 = arith.constant 96 : index
        %get3A_947 = tpu.vector_load %get3A_944[%get3A_945, %get3A_946] {strides = array<i32>} : memref<256x128xf32, #tpu.memory_space<vmem>>, vector<1x16xf32>,
        %get3A_948 = vector.shape_cast %get3A_947 : vector<1x16xf32> to vector<16xf32>
        %gt3A_949 = arith.constant 0.000000e+00 : f32
        %gt3A_950 = vector.broadcast %gt3A_949 : f32 to vector<16xf32>
        %gt3A_951 = arith.cmpf ogt, %get3A_948, %gt3A_950 : vector<16xf32>
        %select_n3A_952 = arith.select %gt3A_951, %broadcast_in_dim3A_40, %broadcast_in_dim3A_38 : vector<16xi1>, vector<16xi32>
        %xor3A_953 = arith.xori %select_n3A_952, %select_n3A_834 : vector<16xi32>
        %add3A_954 = arith.addi %add3A_836, %xor3A_953 : vector<16xi32>
        %get3A_955 = arith.constant 0 : i32
        %get3A_956 = arith.constant 0 : i32
        %get3A_957 = tpu.memref_slice %arg4[%scan3A_445, %get3A_955, %get3A_956] : memref<2x256x128xf32, #tpu.memory_space<vmem>> -> memref<1x256x128xf32, #tpu.memory_space<vmem>>
        %get3A_958 = tpu.memref_squeeze %get3A_957 : memref<1x256x128xf32, #tpu.memory_space<vmem>> -> memref<256x128xf32, #tpu.memory_space<vmem>>
        %get3A_959 = arith.index_cast %add3A_856 : i32 to index
        %get3A_960 = arith.constant 112 : index
        %get3A_961 = tpu.vector_load %get3A_958[%get3A_959, %get3A_960] {strides = array<i32>} : memref<256x128xf32, #tpu.memory_space<vmem>>, vector<1x16xf32>,
        %get3A_962 = vector.shape_cast %get3A_961 : vector<1x16xf32> to vector<16xf32>
        %gt3A_963 = arith.constant 0.000000e+00 : f32
        %gt3A_964 = vector.broadcast %gt3A_963 : f32 to vector<16xf32>
        %gt3A_965 = arith.cmpf ogt, %get3A_962, %gt3A_964 : vector<16xf32>
        %select_n3A_966 = arith.select %gt3A_965, %broadcast_in_dim3A_40, %broadcast_in_dim3A_38 : vector<16xi1>, vector<16xi32>
        %xor3A_967 = arith.xori %select_n3A_966, %select_n3A_848 : vector<16xi32>
        %add3A_968 = arith.addi %add3A_850, %xor3A_967 : vector<16xi32>
        scf.yield %add3A_870, %add3A_884, %add3A_898, %add3A_912, %add3A_926, %add3A_940, %add3A_954, %add3A_968, %select_n3A_868, %select_n3A_882, %select_n3A_896, %select_n3A_910, %select_n3A_924, %select_n3A_938, %select_n3A_952, %select_n3A_966 : vector<16xi32>, vector<16xi32>, vector<16xi32>, vector<16xi32>, vector<16xi32>, vector<16xi32>, vector<16xi32>, vector<16xi32>, vector<16xi32>, vector<16xi32>, vector<16xi32>, vector<16xi32>, vector<16xi32>, vector<16xi32>, vector<16xi32>, vector<16xi32>
      }
      %scan3A_451 = arith.constant 256 : i32
      %add3A_452 = arith.constant 1 : i32
      %add3A_453 = arith.addi %add3A_410, %add3A_452 : i32
      %mul3A_454 = arith.constant 256 : i32
      %mul3A_455 = arith.muli %add3A_453, %mul3A_454 : i32
      %add3A_456 = arith.addi %mul3A_2, %mul3A_455 : i32
      %dma_wait3A_457 = arith.constant 1 : i32
      %dma_wait3A_458 = arith.constant 0 : i32
      %dma_wait3A_459 = arith.constant 0 : i32
      %dma_wait3A_460 = tpu.memref_slice %arg4[%dma_wait3A_457, %dma_wait3A_458, %dma_wait3A_459] : memref<2x256x128xf32, #tpu.memory_space<vmem>> -> memref<1x256x128xf32, #tpu.memory_space<vmem>>
      %dma_wait3A_461 = tpu.memref_squeeze %dma_wait3A_460 : memref<1x256x128xf32, #tpu.memory_space<vmem>> -> memref<256x128xf32, #tpu.memory_space<vmem>>
      %dma_wait3A_462 = arith.constant 0 : i32
      %dma_wait3A_463 = tpu.memref_slice %arg2[%add3A_456, %dma_wait3A_462] : memref<262144x128xf32, #tpu.memory_space<hbm>> -> memref<256x128xf32, #tpu.memory_space<hbm>>
      %dma_wait3A_464 = arith.constant 0 : i32
      %dma_wait3A_465 = arith.constant 0 : i32
      %dma_wait3A_466 = tpu.memref_slice %arg4[%dma_wait3A_457, %dma_wait3A_464, %dma_wait3A_465] : memref<2x256x128xf32, #tpu.memory_space<vmem>> -> memref<1x256x128xf32, #tpu.memory_space<vmem>>
      %dma_wait3A_467 = tpu.memref_squeeze %dma_wait3A_466 : memref<1x256x128xf32, #tpu.memory_space<vmem>> -> memref<256x128xf32, #tpu.memory_space<vmem>>
      %dma_wait3A_468 = arith.constant 0 : i32
      %dma_wait3A_469 = tpu.memref_slice %arg2[%add3A_456, %dma_wait3A_468] : memref<262144x128xf32, #tpu.memory_space<hbm>> -> memref<256x128xf32, #tpu.memory_space<hbm>>
      tpu.wait_dma2 semaphore(%arg8 : memref<!tpu.dma_semaphore, #tpu.memory_space<semaphore_mem>>) src(%dma_wait3A_469 : memref<256x128xf32, #tpu.memory_space<hbm>>) dst(%dma_wait3A_467 : memref<256x128xf32, #tpu.memory_space<vmem>>)
      %add3A_470 = arith.constant 2 : i32
      %add3A_471 = arith.addi %add3A_410, %add3A_470 : i32
      %lt3A_472 = arith.constant 32 : i32
      %lt3A_473 = arith.cmpi slt, %add3A_471, %lt3A_472 : i32
      %convert_element_type3A_474 = arith.extui %lt3A_473 : i1 to i32
      %cond3A = arith.constant 0 : i32
      %cond3A_475 = arith.cmpi ne, %convert_element_type3A_474, %cond3A : i32
      scf.if %cond3A_475 {
        %add3A_483 = arith.constant 2 : i32
        %add3A_484 = arith.addi %add3A_410, %add3A_483 : i32
        %mul3A_485 = arith.constant 256 : i32
        %mul3A_486 = arith.muli %add3A_484, %mul3A_485 : i32
        %add3A_487 = arith.addi %mul3A_2, %mul3A_486 : i32
        %dma_start3A_488 = arith.constant 0 : i32
        %dma_start3A_489 = arith.constant 0 : i32
        %dma_start3A_490 = arith.constant 0 : i32
        %dma_start3A_491 = tpu.memref_slice %arg4[%dma_start3A_488, %dma_start3A_489, %dma_start3A_490] : memref<2x256x128xf32, #tpu.memory_space<vmem>> -> memref<1x256x128xf32, #tpu.memory_space<vmem>>
        %dma_start3A_492 = tpu.memref_squeeze %dma_start3A_491 : memref<1x256x128xf32, #tpu.memory_space<vmem>> -> memref<256x128xf32, #tpu.memory_space<vmem>>
        %dma_start3A_493 = arith.constant 0 : i32
        %dma_start3A_494 = tpu.memref_slice %arg2[%add3A_487, %dma_start3A_493] : memref<262144x128xf32, #tpu.memory_space<hbm>> -> memref<256x128xf32, #tpu.memory_space<hbm>>
        %dma_start3A_495 = arith.constant 0 : i32
        %dma_start3A_496 = arith.constant 0 : i32
        %dma_start3A_497 = tpu.memref_slice %arg4[%dma_start3A_488, %dma_start3A_495, %dma_start3A_496] : memref<2x256x128xf32, #tpu.memory_space<vmem>> -> memref<1x256x128xf32, #tpu.memory_space<vmem>>
        %dma_start3A_498 = tpu.memref_squeeze %dma_start3A_497 : memref<1x256x128xf32, #tpu.memory_space<vmem>> -> memref<256x128xf32, #tpu.memory_space<vmem>>
        %dma_start3A_499 = arith.constant 0 : i32
        %dma_start3A_500 = tpu.memref_slice %arg2[%add3A_487, %dma_start3A_499] : memref<262144x128xf32, #tpu.memory_space<hbm>> -> memref<256x128xf32, #tpu.memory_space<hbm>>
        tpu.enqueue_dma source(%dma_start3A_500 : memref<256x128xf32, #tpu.memory_space<hbm>>) target(%dma_start3A_498 : memref<256x128xf32, #tpu.memory_space<vmem>>) target_semaphore(%arg7 : memref<!tpu.dma_semaphore, #tpu.memory_space<semaphore_mem>>)
      } else {
      }
      %scan3A_476 = arith.constant 1 : i32
      %scan3A_477 = arith.constant 0 : i32
      %scan3A_478 = arith.constant 256 : i32
      %scan3A_479 = arith.addi %scan3A_477, %scan3A_478 : i32
      %scan3A_480 = arith.constant 4 : i32
      %scan3A_481:16 = scf.for %scan3A_483 = %scan3A_477 to %scan3A_479 step %scan3A_480 iter_args(%scan3A_484 = %scan3A_450#0, %scan3A_485 = %scan3A_450#1, %scan3A_486 = %scan3A_450#2, %scan3A_487 = %scan3A_450#3, %scan3A_488 = %scan3A_450#4, %scan3A_489 = %scan3A_450#5, %scan3A_490 = %scan3A_450#6, %scan3A_491 = %scan3A_450#7, %scan3A_492 = %scan3A_450#8, %scan3A_493 = %scan3A_450#9, %scan3A_494 = %scan3A_450#10, %scan3A_495 = %scan3A_450#11, %scan3A_496 = %scan3A_450#12, %scan3A_497 = %scan3A_450#13, %scan3A_498 = %scan3A_450#14, %scan3A_499 = %scan3A_450#15) -> (vector<16xi32>, vector<16xi32>, vector<16xi32>, vector<16xi32>, vector<16xi32>, vector<16xi32>, vector<16xi32>, vector<16xi32>, vector<16xi32>, vector<16xi32>, vector<16xi32>, vector<16xi32>, vector<16xi32>, vector<16xi32>, vector<16xi32>, vector<16xi32>)  : i32 {
        %mul3A_500 = arith.constant 1 : i32
        %mul3A_501 = arith.muli %scan3A_483, %mul3A_500 : i32
        %add3A_502 = arith.constant 0 : i32
        %add3A_503 = arith.addi %add3A_502, %mul3A_501 : i32
        %get3A_504 = arith.constant 0 : i32
        %get3A_505 = arith.constant 0 : i32
        %get3A_506 = tpu.memref_slice %arg4[%scan3A_476, %get3A_504, %get3A_505] : memref<2x256x128xf32, #tpu.memory_space<vmem>> -> memref<1x256x128xf32, #tpu.memory_space<vmem>>
        %get3A_507 = tpu.memref_squeeze %get3A_506 : memref<1x256x128xf32, #tpu.memory_space<vmem>> -> memref<256x128xf32, #tpu.memory_space<vmem>>
        %get3A_508 = arith.index_cast %add3A_503 : i32 to index
        %get3A_509 = arith.constant 0 : index
        %get3A_510 = tpu.vector_load %get3A_507[%get3A_508, %get3A_509] {strides = array<i32>} : memref<256x128xf32, #tpu.memory_space<vmem>>, vector<1x16xf32>,
        %get3A_511 = vector.shape_cast %get3A_510 : vector<1x16xf32> to vector<16xf32>
        %gt3A_512 = arith.constant 0.000000e+00 : f32
        %gt3A_513 = vector.broadcast %gt3A_512 : f32 to vector<16xf32>
        %gt3A_514 = arith.cmpf ogt, %get3A_511, %gt3A_513 : vector<16xf32>
        %select_n3A_515 = arith.select %gt3A_514, %broadcast_in_dim3A_40, %broadcast_in_dim3A_38 : vector<16xi1>, vector<16xi32>
        %xor3A = arith.xori %select_n3A_515, %scan3A_492 : vector<16xi32>
        %add3A_516 = arith.addi %scan3A_484, %xor3A : vector<16xi32>
        %get3A_517 = arith.constant 0 : i32
        %get3A_518 = arith.constant 0 : i32
        %get3A_519 = tpu.memref_slice %arg4[%scan3A_476, %get3A_517, %get3A_518] : memref<2x256x128xf32, #tpu.memory_space<vmem>> -> memref<1x256x128xf32, #tpu.memory_space<vmem>>
        %get3A_520 = tpu.memref_squeeze %get3A_519 : memref<1x256x128xf32, #tpu.memory_space<vmem>> -> memref<256x128xf32, #tpu.memory_space<vmem>>
        %get3A_521 = arith.index_cast %add3A_503 : i32 to index
        %get3A_522 = arith.constant 16 : index
        %get3A_523 = tpu.vector_load %get3A_520[%get3A_521, %get3A_522] {strides = array<i32>} : memref<256x128xf32, #tpu.memory_space<vmem>>, vector<1x16xf32>,
        %get3A_524 = vector.shape_cast %get3A_523 : vector<1x16xf32> to vector<16xf32>
        %gt3A_525 = arith.constant 0.000000e+00 : f32
        %gt3A_526 = vector.broadcast %gt3A_525 : f32 to vector<16xf32>
        %gt3A_527 = arith.cmpf ogt, %get3A_524, %gt3A_526 : vector<16xf32>
        %select_n3A_528 = arith.select %gt3A_527, %broadcast_in_dim3A_40, %broadcast_in_dim3A_38 : vector<16xi1>, vector<16xi32>
        %xor3A_529 = arith.xori %select_n3A_528, %scan3A_493 : vector<16xi32>
        %add3A_530 = arith.addi %scan3A_485, %xor3A_529 : vector<16xi32>
        %get3A_531 = arith.constant 0 : i32
        %get3A_532 = arith.constant 0 : i32
        %get3A_533 = tpu.memref_slice %arg4[%scan3A_476, %get3A_531, %get3A_532] : memref<2x256x128xf32, #tpu.memory_space<vmem>> -> memref<1x256x128xf32, #tpu.memory_space<vmem>>
        %get3A_534 = tpu.memref_squeeze %get3A_533 : memref<1x256x128xf32, #tpu.memory_space<vmem>> -> memref<256x128xf32, #tpu.memory_space<vmem>>
        %get3A_535 = arith.index_cast %add3A_503 : i32 to index
        %get3A_536 = arith.constant 32 : index
        %get3A_537 = tpu.vector_load %get3A_534[%get3A_535, %get3A_536] {strides = array<i32>} : memref<256x128xf32, #tpu.memory_space<vmem>>, vector<1x16xf32>,
        %get3A_538 = vector.shape_cast %get3A_537 : vector<1x16xf32> to vector<16xf32>
        %gt3A_539 = arith.constant 0.000000e+00 : f32
        %gt3A_540 = vector.broadcast %gt3A_539 : f32 to vector<16xf32>
        %gt3A_541 = arith.cmpf ogt, %get3A_538, %gt3A_540 : vector<16xf32>
        %select_n3A_542 = arith.select %gt3A_541, %broadcast_in_dim3A_40, %broadcast_in_dim3A_38 : vector<16xi1>, vector<16xi32>
        %xor3A_543 = arith.xori %select_n3A_542, %scan3A_494 : vector<16xi32>
        %add3A_544 = arith.addi %scan3A_486, %xor3A_543 : vector<16xi32>
        %get3A_545 = arith.constant 0 : i32
        %get3A_546 = arith.constant 0 : i32
        %get3A_547 = tpu.memref_slice %arg4[%scan3A_476, %get3A_545, %get3A_546] : memref<2x256x128xf32, #tpu.memory_space<vmem>> -> memref<1x256x128xf32, #tpu.memory_space<vmem>>
        %get3A_548 = tpu.memref_squeeze %get3A_547 : memref<1x256x128xf32, #tpu.memory_space<vmem>> -> memref<256x128xf32, #tpu.memory_space<vmem>>
        %get3A_549 = arith.index_cast %add3A_503 : i32 to index
        %get3A_550 = arith.constant 48 : index
        %get3A_551 = tpu.vector_load %get3A_548[%get3A_549, %get3A_550] {strides = array<i32>} : memref<256x128xf32, #tpu.memory_space<vmem>>, vector<1x16xf32>,
        %get3A_552 = vector.shape_cast %get3A_551 : vector<1x16xf32> to vector<16xf32>
        %gt3A_553 = arith.constant 0.000000e+00 : f32
        %gt3A_554 = vector.broadcast %gt3A_553 : f32 to vector<16xf32>
        %gt3A_555 = arith.cmpf ogt, %get3A_552, %gt3A_554 : vector<16xf32>
        %select_n3A_556 = arith.select %gt3A_555, %broadcast_in_dim3A_40, %broadcast_in_dim3A_38 : vector<16xi1>, vector<16xi32>
        %xor3A_557 = arith.xori %select_n3A_556, %scan3A_495 : vector<16xi32>
        %add3A_558 = arith.addi %scan3A_487, %xor3A_557 : vector<16xi32>
        %get3A_559 = arith.constant 0 : i32
        %get3A_560 = arith.constant 0 : i32
        %get3A_561 = tpu.memref_slice %arg4[%scan3A_476, %get3A_559, %get3A_560] : memref<2x256x128xf32, #tpu.memory_space<vmem>> -> memref<1x256x128xf32, #tpu.memory_space<vmem>>
        %get3A_562 = tpu.memref_squeeze %get3A_561 : memref<1x256x128xf32, #tpu.memory_space<vmem>> -> memref<256x128xf32, #tpu.memory_space<vmem>>
        %get3A_563 = arith.index_cast %add3A_503 : i32 to index
        %get3A_564 = arith.constant 64 : index
        %get3A_565 = tpu.vector_load %get3A_562[%get3A_563, %get3A_564] {strides = array<i32>} : memref<256x128xf32, #tpu.memory_space<vmem>>, vector<1x16xf32>,
        %get3A_566 = vector.shape_cast %get3A_565 : vector<1x16xf32> to vector<16xf32>
        %gt3A_567 = arith.constant 0.000000e+00 : f32
        %gt3A_568 = vector.broadcast %gt3A_567 : f32 to vector<16xf32>
        %gt3A_569 = arith.cmpf ogt, %get3A_566, %gt3A_568 : vector<16xf32>
        %select_n3A_570 = arith.select %gt3A_569, %broadcast_in_dim3A_40, %broadcast_in_dim3A_38 : vector<16xi1>, vector<16xi32>
        %xor3A_571 = arith.xori %select_n3A_570, %scan3A_496 : vector<16xi32>
        %add3A_572 = arith.addi %scan3A_488, %xor3A_571 : vector<16xi32>
        %get3A_573 = arith.constant 0 : i32
        %get3A_574 = arith.constant 0 : i32
        %get3A_575 = tpu.memref_slice %arg4[%scan3A_476, %get3A_573, %get3A_574] : memref<2x256x128xf32, #tpu.memory_space<vmem>> -> memref<1x256x128xf32, #tpu.memory_space<vmem>>
        %get3A_576 = tpu.memref_squeeze %get3A_575 : memref<1x256x128xf32, #tpu.memory_space<vmem>> -> memref<256x128xf32, #tpu.memory_space<vmem>>
        %get3A_577 = arith.index_cast %add3A_503 : i32 to index
        %get3A_578 = arith.constant 80 : index
        %get3A_579 = tpu.vector_load %get3A_576[%get3A_577, %get3A_578] {strides = array<i32>} : memref<256x128xf32, #tpu.memory_space<vmem>>, vector<1x16xf32>,
        %get3A_580 = vector.shape_cast %get3A_579 : vector<1x16xf32> to vector<16xf32>
        %gt3A_581 = arith.constant 0.000000e+00 : f32
        %gt3A_582 = vector.broadcast %gt3A_581 : f32 to vector<16xf32>
        %gt3A_583 = arith.cmpf ogt, %get3A_580, %gt3A_582 : vector<16xf32>
        %select_n3A_584 = arith.select %gt3A_583, %broadcast_in_dim3A_40, %broadcast_in_dim3A_38 : vector<16xi1>, vector<16xi32>
        %xor3A_585 = arith.xori %select_n3A_584, %scan3A_497 : vector<16xi32>
        %add3A_586 = arith.addi %scan3A_489, %xor3A_585 : vector<16xi32>
        %get3A_587 = arith.constant 0 : i32
        %get3A_588 = arith.constant 0 : i32
        %get3A_589 = tpu.memref_slice %arg4[%scan3A_476, %get3A_587, %get3A_588] : memref<2x256x128xf32, #tpu.memory_space<vmem>> -> memref<1x256x128xf32, #tpu.memory_space<vmem>>
        %get3A_590 = tpu.memref_squeeze %get3A_589 : memref<1x256x128xf32, #tpu.memory_space<vmem>> -> memref<256x128xf32, #tpu.memory_space<vmem>>
        %get3A_591 = arith.index_cast %add3A_503 : i32 to index
        %get3A_592 = arith.constant 96 : index
        %get3A_593 = tpu.vector_load %get3A_590[%get3A_591, %get3A_592] {strides = array<i32>} : memref<256x128xf32, #tpu.memory_space<vmem>>, vector<1x16xf32>,
        %get3A_594 = vector.shape_cast %get3A_593 : vector<1x16xf32> to vector<16xf32>
        %gt3A_595 = arith.constant 0.000000e+00 : f32
        %gt3A_596 = vector.broadcast %gt3A_595 : f32 to vector<16xf32>
        %gt3A_597 = arith.cmpf ogt, %get3A_594, %gt3A_596 : vector<16xf32>
        %select_n3A_598 = arith.select %gt3A_597, %broadcast_in_dim3A_40, %broadcast_in_dim3A_38 : vector<16xi1>, vector<16xi32>
        %xor3A_599 = arith.xori %select_n3A_598, %scan3A_498 : vector<16xi32>
        %add3A_600 = arith.addi %scan3A_490, %xor3A_599 : vector<16xi32>
        %get3A_601 = arith.constant 0 : i32
        %get3A_602 = arith.constant 0 : i32
        %get3A_603 = tpu.memref_slice %arg4[%scan3A_476, %get3A_601, %get3A_602] : memref<2x256x128xf32, #tpu.memory_space<vmem>> -> memref<1x256x128xf32, #tpu.memory_space<vmem>>
        %get3A_604 = tpu.memref_squeeze %get3A_603 : memref<1x256x128xf32, #tpu.memory_space<vmem>> -> memref<256x128xf32, #tpu.memory_space<vmem>>
        %get3A_605 = arith.index_cast %add3A_503 : i32 to index
        %get3A_606 = arith.constant 112 : index
        %get3A_607 = tpu.vector_load %get3A_604[%get3A_605, %get3A_606] {strides = array<i32>} : memref<256x128xf32, #tpu.memory_space<vmem>>, vector<1x16xf32>,
        %get3A_608 = vector.shape_cast %get3A_607 : vector<1x16xf32> to vector<16xf32>
        %gt3A_609 = arith.constant 0.000000e+00 : f32
        %gt3A_610 = vector.broadcast %gt3A_609 : f32 to vector<16xf32>
        %gt3A_611 = arith.cmpf ogt, %get3A_608, %gt3A_610 : vector<16xf32>
        %select_n3A_612 = arith.select %gt3A_611, %broadcast_in_dim3A_40, %broadcast_in_dim3A_38 : vector<16xi1>, vector<16xi32>
        %xor3A_613 = arith.xori %select_n3A_612, %scan3A_499 : vector<16xi32>
        %add3A_614 = arith.addi %scan3A_491, %xor3A_613 : vector<16xi32>
        %scan3A_615 = arith.constant 1 : i32
        %scan3A_616 = arith.addi %scan3A_483, %scan3A_615 : i32
        %mul3A_617 = arith.constant 1 : i32
        %mul3A_618 = arith.muli %scan3A_616, %mul3A_617 : i32
        %add3A_619 = arith.constant 0 : i32
        %add3A_620 = arith.addi %add3A_619, %mul3A_618 : i32
        %get3A_621 = arith.constant 0 : i32
        %get3A_622 = arith.constant 0 : i32
        %get3A_623 = tpu.memref_slice %arg4[%scan3A_476, %get3A_621, %get3A_622] : memref<2x256x128xf32, #tpu.memory_space<vmem>> -> memref<1x256x128xf32, #tpu.memory_space<vmem>>
        %get3A_624 = tpu.memref_squeeze %get3A_623 : memref<1x256x128xf32, #tpu.memory_space<vmem>> -> memref<256x128xf32, #tpu.memory_space<vmem>>
        %get3A_625 = arith.index_cast %add3A_620 : i32 to index
        %get3A_626 = arith.constant 0 : index
        %get3A_627 = tpu.vector_load %get3A_624[%get3A_625, %get3A_626] {strides = array<i32>} : memref<256x128xf32, #tpu.memory_space<vmem>>, vector<1x16xf32>,
        %get3A_628 = vector.shape_cast %get3A_627 : vector<1x16xf32> to vector<16xf32>
        %gt3A_629 = arith.constant 0.000000e+00 : f32
        %gt3A_630 = vector.broadcast %gt3A_629 : f32 to vector<16xf32>
        %gt3A_631 = arith.cmpf ogt, %get3A_628, %gt3A_630 : vector<16xf32>
        %select_n3A_632 = arith.select %gt3A_631, %broadcast_in_dim3A_40, %broadcast_in_dim3A_38 : vector<16xi1>, vector<16xi32>
        %xor3A_633 = arith.xori %select_n3A_632, %select_n3A_515 : vector<16xi32>
        %add3A_634 = arith.addi %add3A_516, %xor3A_633 : vector<16xi32>
        %get3A_635 = arith.constant 0 : i32
        %get3A_636 = arith.constant 0 : i32
        %get3A_637 = tpu.memref_slice %arg4[%scan3A_476, %get3A_635, %get3A_636] : memref<2x256x128xf32, #tpu.memory_space<vmem>> -> memref<1x256x128xf32, #tpu.memory_space<vmem>>
        %get3A_638 = tpu.memref_squeeze %get3A_637 : memref<1x256x128xf32, #tpu.memory_space<vmem>> -> memref<256x128xf32, #tpu.memory_space<vmem>>
        %get3A_639 = arith.index_cast %add3A_620 : i32 to index
        %get3A_640 = arith.constant 16 : index
        %get3A_641 = tpu.vector_load %get3A_638[%get3A_639, %get3A_640] {strides = array<i32>} : memref<256x128xf32, #tpu.memory_space<vmem>>, vector<1x16xf32>,
        %get3A_642 = vector.shape_cast %get3A_641 : vector<1x16xf32> to vector<16xf32>
        %gt3A_643 = arith.constant 0.000000e+00 : f32
        %gt3A_644 = vector.broadcast %gt3A_643 : f32 to vector<16xf32>
        %gt3A_645 = arith.cmpf ogt, %get3A_642, %gt3A_644 : vector<16xf32>
        %select_n3A_646 = arith.select %gt3A_645, %broadcast_in_dim3A_40, %broadcast_in_dim3A_38 : vector<16xi1>, vector<16xi32>
        %xor3A_647 = arith.xori %select_n3A_646, %select_n3A_528 : vector<16xi32>
        %add3A_648 = arith.addi %add3A_530, %xor3A_647 : vector<16xi32>
        %get3A_649 = arith.constant 0 : i32
        %get3A_650 = arith.constant 0 : i32
        %get3A_651 = tpu.memref_slice %arg4[%scan3A_476, %get3A_649, %get3A_650] : memref<2x256x128xf32, #tpu.memory_space<vmem>> -> memref<1x256x128xf32, #tpu.memory_space<vmem>>
        %get3A_652 = tpu.memref_squeeze %get3A_651 : memref<1x256x128xf32, #tpu.memory_space<vmem>> -> memref<256x128xf32, #tpu.memory_space<vmem>>
        %get3A_653 = arith.index_cast %add3A_620 : i32 to index
        %get3A_654 = arith.constant 32 : index
        %get3A_655 = tpu.vector_load %get3A_652[%get3A_653, %get3A_654] {strides = array<i32>} : memref<256x128xf32, #tpu.memory_space<vmem>>, vector<1x16xf32>,
        %get3A_656 = vector.shape_cast %get3A_655 : vector<1x16xf32> to vector<16xf32>
        %gt3A_657 = arith.constant 0.000000e+00 : f32
        %gt3A_658 = vector.broadcast %gt3A_657 : f32 to vector<16xf32>
        %gt3A_659 = arith.cmpf ogt, %get3A_656, %gt3A_658 : vector<16xf32>
        %select_n3A_660 = arith.select %gt3A_659, %broadcast_in_dim3A_40, %broadcast_in_dim3A_38 : vector<16xi1>, vector<16xi32>
        %xor3A_661 = arith.xori %select_n3A_660, %select_n3A_542 : vector<16xi32>
        %add3A_662 = arith.addi %add3A_544, %xor3A_661 : vector<16xi32>
        %get3A_663 = arith.constant 0 : i32
        %get3A_664 = arith.constant 0 : i32
        %get3A_665 = tpu.memref_slice %arg4[%scan3A_476, %get3A_663, %get3A_664] : memref<2x256x128xf32, #tpu.memory_space<vmem>> -> memref<1x256x128xf32, #tpu.memory_space<vmem>>
        %get3A_666 = tpu.memref_squeeze %get3A_665 : memref<1x256x128xf32, #tpu.memory_space<vmem>> -> memref<256x128xf32, #tpu.memory_space<vmem>>
        %get3A_667 = arith.index_cast %add3A_620 : i32 to index
        %get3A_668 = arith.constant 48 : index
        %get3A_669 = tpu.vector_load %get3A_666[%get3A_667, %get3A_668] {strides = array<i32>} : memref<256x128xf32, #tpu.memory_space<vmem>>, vector<1x16xf32>,
        %get3A_670 = vector.shape_cast %get3A_669 : vector<1x16xf32> to vector<16xf32>
        %gt3A_671 = arith.constant 0.000000e+00 : f32
        %gt3A_672 = vector.broadcast %gt3A_671 : f32 to vector<16xf32>
        %gt3A_673 = arith.cmpf ogt, %get3A_670, %gt3A_672 : vector<16xf32>
        %select_n3A_674 = arith.select %gt3A_673, %broadcast_in_dim3A_40, %broadcast_in_dim3A_38 : vector<16xi1>, vector<16xi32>
        %xor3A_675 = arith.xori %select_n3A_674, %select_n3A_556 : vector<16xi32>
        %add3A_676 = arith.addi %add3A_558, %xor3A_675 : vector<16xi32>
        %get3A_677 = arith.constant 0 : i32
        %get3A_678 = arith.constant 0 : i32
        %get3A_679 = tpu.memref_slice %arg4[%scan3A_476, %get3A_677, %get3A_678] : memref<2x256x128xf32, #tpu.memory_space<vmem>> -> memref<1x256x128xf32, #tpu.memory_space<vmem>>
        %get3A_680 = tpu.memref_squeeze %get3A_679 : memref<1x256x128xf32, #tpu.memory_space<vmem>> -> memref<256x128xf32, #tpu.memory_space<vmem>>
        %get3A_681 = arith.index_cast %add3A_620 : i32 to index
        %get3A_682 = arith.constant 64 : index
        %get3A_683 = tpu.vector_load %get3A_680[%get3A_681, %get3A_682] {strides = array<i32>} : memref<256x128xf32, #tpu.memory_space<vmem>>, vector<1x16xf32>,
        %get3A_684 = vector.shape_cast %get3A_683 : vector<1x16xf32> to vector<16xf32>
        %gt3A_685 = arith.constant 0.000000e+00 : f32
        %gt3A_686 = vector.broadcast %gt3A_685 : f32 to vector<16xf32>
        %gt3A_687 = arith.cmpf ogt, %get3A_684, %gt3A_686 : vector<16xf32>
        %select_n3A_688 = arith.select %gt3A_687, %broadcast_in_dim3A_40, %broadcast_in_dim3A_38 : vector<16xi1>, vector<16xi32>
        %xor3A_689 = arith.xori %select_n3A_688, %select_n3A_570 : vector<16xi32>
        %add3A_690 = arith.addi %add3A_572, %xor3A_689 : vector<16xi32>
        %get3A_691 = arith.constant 0 : i32
        %get3A_692 = arith.constant 0 : i32
        %get3A_693 = tpu.memref_slice %arg4[%scan3A_476, %get3A_691, %get3A_692] : memref<2x256x128xf32, #tpu.memory_space<vmem>> -> memref<1x256x128xf32, #tpu.memory_space<vmem>>
        %get3A_694 = tpu.memref_squeeze %get3A_693 : memref<1x256x128xf32, #tpu.memory_space<vmem>> -> memref<256x128xf32, #tpu.memory_space<vmem>>
        %get3A_695 = arith.index_cast %add3A_620 : i32 to index
        %get3A_696 = arith.constant 80 : index
        %get3A_697 = tpu.vector_load %get3A_694[%get3A_695, %get3A_696] {strides = array<i32>} : memref<256x128xf32, #tpu.memory_space<vmem>>, vector<1x16xf32>,
        %get3A_698 = vector.shape_cast %get3A_697 : vector<1x16xf32> to vector<16xf32>
        %gt3A_699 = arith.constant 0.000000e+00 : f32
        %gt3A_700 = vector.broadcast %gt3A_699 : f32 to vector<16xf32>
        %gt3A_701 = arith.cmpf ogt, %get3A_698, %gt3A_700 : vector<16xf32>
        %select_n3A_702 = arith.select %gt3A_701, %broadcast_in_dim3A_40, %broadcast_in_dim3A_38 : vector<16xi1>, vector<16xi32>
        %xor3A_703 = arith.xori %select_n3A_702, %select_n3A_584 : vector<16xi32>
        %add3A_704 = arith.addi %add3A_586, %xor3A_703 : vector<16xi32>
        %get3A_705 = arith.constant 0 : i32
        %get3A_706 = arith.constant 0 : i32
        %get3A_707 = tpu.memref_slice %arg4[%scan3A_476, %get3A_705, %get3A_706] : memref<2x256x128xf32, #tpu.memory_space<vmem>> -> memref<1x256x128xf32, #tpu.memory_space<vmem>>
        %get3A_708 = tpu.memref_squeeze %get3A_707 : memref<1x256x128xf32, #tpu.memory_space<vmem>> -> memref<256x128xf32, #tpu.memory_space<vmem>>
        %get3A_709 = arith.index_cast %add3A_620 : i32 to index
        %get3A_710 = arith.constant 96 : index
        %get3A_711 = tpu.vector_load %get3A_708[%get3A_709, %get3A_710] {strides = array<i32>} : memref<256x128xf32, #tpu.memory_space<vmem>>, vector<1x16xf32>,
        %get3A_712 = vector.shape_cast %get3A_711 : vector<1x16xf32> to vector<16xf32>
        %gt3A_713 = arith.constant 0.000000e+00 : f32
        %gt3A_714 = vector.broadcast %gt3A_713 : f32 to vector<16xf32>
        %gt3A_715 = arith.cmpf ogt, %get3A_712, %gt3A_714 : vector<16xf32>
        %select_n3A_716 = arith.select %gt3A_715, %broadcast_in_dim3A_40, %broadcast_in_dim3A_38 : vector<16xi1>, vector<16xi32>
        %xor3A_717 = arith.xori %select_n3A_716, %select_n3A_598 : vector<16xi32>
        %add3A_718 = arith.addi %add3A_600, %xor3A_717 : vector<16xi32>
        %get3A_719 = arith.constant 0 : i32
        %get3A_720 = arith.constant 0 : i32
        %get3A_721 = tpu.memref_slice %arg4[%scan3A_476, %get3A_719, %get3A_720] : memref<2x256x128xf32, #tpu.memory_space<vmem>> -> memref<1x256x128xf32, #tpu.memory_space<vmem>>
        %get3A_722 = tpu.memref_squeeze %get3A_721 : memref<1x256x128xf32, #tpu.memory_space<vmem>> -> memref<256x128xf32, #tpu.memory_space<vmem>>
        %get3A_723 = arith.index_cast %add3A_620 : i32 to index
        %get3A_724 = arith.constant 112 : index
        %get3A_725 = tpu.vector_load %get3A_722[%get3A_723, %get3A_724] {strides = array<i32>} : memref<256x128xf32, #tpu.memory_space<vmem>>, vector<1x16xf32>,
        %get3A_726 = vector.shape_cast %get3A_725 : vector<1x16xf32> to vector<16xf32>
        %gt3A_727 = arith.constant 0.000000e+00 : f32
        %gt3A_728 = vector.broadcast %gt3A_727 : f32 to vector<16xf32>
        %gt3A_729 = arith.cmpf ogt, %get3A_726, %gt3A_728 : vector<16xf32>
        %select_n3A_730 = arith.select %gt3A_729, %broadcast_in_dim3A_40, %broadcast_in_dim3A_38 : vector<16xi1>, vector<16xi32>
        %xor3A_731 = arith.xori %select_n3A_730, %select_n3A_612 : vector<16xi32>
        %add3A_732 = arith.addi %add3A_614, %xor3A_731 : vector<16xi32>
        %scan3A_733 = arith.constant 2 : i32
        %scan3A_734 = arith.addi %scan3A_483, %scan3A_733 : i32
        %mul3A_735 = arith.constant 1 : i32
        %mul3A_736 = arith.muli %scan3A_734, %mul3A_735 : i32
        %add3A_737 = arith.constant 0 : i32
        %add3A_738 = arith.addi %add3A_737, %mul3A_736 : i32
        %get3A_739 = arith.constant 0 : i32
        %get3A_740 = arith.constant 0 : i32
        %get3A_741 = tpu.memref_slice %arg4[%scan3A_476, %get3A_739, %get3A_740] : memref<2x256x128xf32, #tpu.memory_space<vmem>> -> memref<1x256x128xf32, #tpu.memory_space<vmem>>
        %get3A_742 = tpu.memref_squeeze %get3A_741 : memref<1x256x128xf32, #tpu.memory_space<vmem>> -> memref<256x128xf32, #tpu.memory_space<vmem>>
        %get3A_743 = arith.index_cast %add3A_738 : i32 to index
        %get3A_744 = arith.constant 0 : index
        %get3A_745 = tpu.vector_load %get3A_742[%get3A_743, %get3A_744] {strides = array<i32>} : memref<256x128xf32, #tpu.memory_space<vmem>>, vector<1x16xf32>,
        %get3A_746 = vector.shape_cast %get3A_745 : vector<1x16xf32> to vector<16xf32>
        %gt3A_747 = arith.constant 0.000000e+00 : f32
        %gt3A_748 = vector.broadcast %gt3A_747 : f32 to vector<16xf32>
        %gt3A_749 = arith.cmpf ogt, %get3A_746, %gt3A_748 : vector<16xf32>
        %select_n3A_750 = arith.select %gt3A_749, %broadcast_in_dim3A_40, %broadcast_in_dim3A_38 : vector<16xi1>, vector<16xi32>
        %xor3A_751 = arith.xori %select_n3A_750, %select_n3A_632 : vector<16xi32>
        %add3A_752 = arith.addi %add3A_634, %xor3A_751 : vector<16xi32>
        %get3A_753 = arith.constant 0 : i32
        %get3A_754 = arith.constant 0 : i32
        %get3A_755 = tpu.memref_slice %arg4[%scan3A_476, %get3A_753, %get3A_754] : memref<2x256x128xf32, #tpu.memory_space<vmem>> -> memref<1x256x128xf32, #tpu.memory_space<vmem>>
        %get3A_756 = tpu.memref_squeeze %get3A_755 : memref<1x256x128xf32, #tpu.memory_space<vmem>> -> memref<256x128xf32, #tpu.memory_space<vmem>>
        %get3A_757 = arith.index_cast %add3A_738 : i32 to index
        %get3A_758 = arith.constant 16 : index
        %get3A_759 = tpu.vector_load %get3A_756[%get3A_757, %get3A_758] {strides = array<i32>} : memref<256x128xf32, #tpu.memory_space<vmem>>, vector<1x16xf32>,
        %get3A_760 = vector.shape_cast %get3A_759 : vector<1x16xf32> to vector<16xf32>
        %gt3A_761 = arith.constant 0.000000e+00 : f32
        %gt3A_762 = vector.broadcast %gt3A_761 : f32 to vector<16xf32>
        %gt3A_763 = arith.cmpf ogt, %get3A_760, %gt3A_762 : vector<16xf32>
        %select_n3A_764 = arith.select %gt3A_763, %broadcast_in_dim3A_40, %broadcast_in_dim3A_38 : vector<16xi1>, vector<16xi32>
        %xor3A_765 = arith.xori %select_n3A_764, %select_n3A_646 : vector<16xi32>
        %add3A_766 = arith.addi %add3A_648, %xor3A_765 : vector<16xi32>
        %get3A_767 = arith.constant 0 : i32
        %get3A_768 = arith.constant 0 : i32
        %get3A_769 = tpu.memref_slice %arg4[%scan3A_476, %get3A_767, %get3A_768] : memref<2x256x128xf32, #tpu.memory_space<vmem>> -> memref<1x256x128xf32, #tpu.memory_space<vmem>>
        %get3A_770 = tpu.memref_squeeze %get3A_769 : memref<1x256x128xf32, #tpu.memory_space<vmem>> -> memref<256x128xf32, #tpu.memory_space<vmem>>
        %get3A_771 = arith.index_cast %add3A_738 : i32 to index
        %get3A_772 = arith.constant 32 : index
        %get3A_773 = tpu.vector_load %get3A_770[%get3A_771, %get3A_772] {strides = array<i32>} : memref<256x128xf32, #tpu.memory_space<vmem>>, vector<1x16xf32>,
        %get3A_774 = vector.shape_cast %get3A_773 : vector<1x16xf32> to vector<16xf32>
        %gt3A_775 = arith.constant 0.000000e+00 : f32
        %gt3A_776 = vector.broadcast %gt3A_775 : f32 to vector<16xf32>
        %gt3A_777 = arith.cmpf ogt, %get3A_774, %gt3A_776 : vector<16xf32>
        %select_n3A_778 = arith.select %gt3A_777, %broadcast_in_dim3A_40, %broadcast_in_dim3A_38 : vector<16xi1>, vector<16xi32>
        %xor3A_779 = arith.xori %select_n3A_778, %select_n3A_660 : vector<16xi32>
        %add3A_780 = arith.addi %add3A_662, %xor3A_779 : vector<16xi32>
        %get3A_781 = arith.constant 0 : i32
        %get3A_782 = arith.constant 0 : i32
        %get3A_783 = tpu.memref_slice %arg4[%scan3A_476, %get3A_781, %get3A_782] : memref<2x256x128xf32, #tpu.memory_space<vmem>> -> memref<1x256x128xf32, #tpu.memory_space<vmem>>
        %get3A_784 = tpu.memref_squeeze %get3A_783 : memref<1x256x128xf32, #tpu.memory_space<vmem>> -> memref<256x128xf32, #tpu.memory_space<vmem>>
        %get3A_785 = arith.index_cast %add3A_738 : i32 to index
        %get3A_786 = arith.constant 48 : index
        %get3A_787 = tpu.vector_load %get3A_784[%get3A_785, %get3A_786] {strides = array<i32>} : memref<256x128xf32, #tpu.memory_space<vmem>>, vector<1x16xf32>,
        %get3A_788 = vector.shape_cast %get3A_787 : vector<1x16xf32> to vector<16xf32>
        %gt3A_789 = arith.constant 0.000000e+00 : f32
        %gt3A_790 = vector.broadcast %gt3A_789 : f32 to vector<16xf32>
        %gt3A_791 = arith.cmpf ogt, %get3A_788, %gt3A_790 : vector<16xf32>
        %select_n3A_792 = arith.select %gt3A_791, %broadcast_in_dim3A_40, %broadcast_in_dim3A_38 : vector<16xi1>, vector<16xi32>
        %xor3A_793 = arith.xori %select_n3A_792, %select_n3A_674 : vector<16xi32>
        %add3A_794 = arith.addi %add3A_676, %xor3A_793 : vector<16xi32>
        %get3A_795 = arith.constant 0 : i32
        %get3A_796 = arith.constant 0 : i32
        %get3A_797 = tpu.memref_slice %arg4[%scan3A_476, %get3A_795, %get3A_796] : memref<2x256x128xf32, #tpu.memory_space<vmem>> -> memref<1x256x128xf32, #tpu.memory_space<vmem>>
        %get3A_798 = tpu.memref_squeeze %get3A_797 : memref<1x256x128xf32, #tpu.memory_space<vmem>> -> memref<256x128xf32, #tpu.memory_space<vmem>>
        %get3A_799 = arith.index_cast %add3A_738 : i32 to index
        %get3A_800 = arith.constant 64 : index
        %get3A_801 = tpu.vector_load %get3A_798[%get3A_799, %get3A_800] {strides = array<i32>} : memref<256x128xf32, #tpu.memory_space<vmem>>, vector<1x16xf32>,
        %get3A_802 = vector.shape_cast %get3A_801 : vector<1x16xf32> to vector<16xf32>
        %gt3A_803 = arith.constant 0.000000e+00 : f32
        %gt3A_804 = vector.broadcast %gt3A_803 : f32 to vector<16xf32>
        %gt3A_805 = arith.cmpf ogt, %get3A_802, %gt3A_804 : vector<16xf32>
        %select_n3A_806 = arith.select %gt3A_805, %broadcast_in_dim3A_40, %broadcast_in_dim3A_38 : vector<16xi1>, vector<16xi32>
        %xor3A_807 = arith.xori %select_n3A_806, %select_n3A_688 : vector<16xi32>
        %add3A_808 = arith.addi %add3A_690, %xor3A_807 : vector<16xi32>
        %get3A_809 = arith.constant 0 : i32
        %get3A_810 = arith.constant 0 : i32
        %get3A_811 = tpu.memref_slice %arg4[%scan3A_476, %get3A_809, %get3A_810] : memref<2x256x128xf32, #tpu.memory_space<vmem>> -> memref<1x256x128xf32, #tpu.memory_space<vmem>>
        %get3A_812 = tpu.memref_squeeze %get3A_811 : memref<1x256x128xf32, #tpu.memory_space<vmem>> -> memref<256x128xf32, #tpu.memory_space<vmem>>
        %get3A_813 = arith.index_cast %add3A_738 : i32 to index
        %get3A_814 = arith.constant 80 : index
        %get3A_815 = tpu.vector_load %get3A_812[%get3A_813, %get3A_814] {strides = array<i32>} : memref<256x128xf32, #tpu.memory_space<vmem>>, vector<1x16xf32>,
        %get3A_816 = vector.shape_cast %get3A_815 : vector<1x16xf32> to vector<16xf32>
        %gt3A_817 = arith.constant 0.000000e+00 : f32
        %gt3A_818 = vector.broadcast %gt3A_817 : f32 to vector<16xf32>
        %gt3A_819 = arith.cmpf ogt, %get3A_816, %gt3A_818 : vector<16xf32>
        %select_n3A_820 = arith.select %gt3A_819, %broadcast_in_dim3A_40, %broadcast_in_dim3A_38 : vector<16xi1>, vector<16xi32>
        %xor3A_821 = arith.xori %select_n3A_820, %select_n3A_702 : vector<16xi32>
        %add3A_822 = arith.addi %add3A_704, %xor3A_821 : vector<16xi32>
        %get3A_823 = arith.constant 0 : i32
        %get3A_824 = arith.constant 0 : i32
        %get3A_825 = tpu.memref_slice %arg4[%scan3A_476, %get3A_823, %get3A_824] : memref<2x256x128xf32, #tpu.memory_space<vmem>> -> memref<1x256x128xf32, #tpu.memory_space<vmem>>
        %get3A_826 = tpu.memref_squeeze %get3A_825 : memref<1x256x128xf32, #tpu.memory_space<vmem>> -> memref<256x128xf32, #tpu.memory_space<vmem>>
        %get3A_827 = arith.index_cast %add3A_738 : i32 to index
        %get3A_828 = arith.constant 96 : index
        %get3A_829 = tpu.vector_load %get3A_826[%get3A_827, %get3A_828] {strides = array<i32>} : memref<256x128xf32, #tpu.memory_space<vmem>>, vector<1x16xf32>,
        %get3A_830 = vector.shape_cast %get3A_829 : vector<1x16xf32> to vector<16xf32>
        %gt3A_831 = arith.constant 0.000000e+00 : f32
        %gt3A_832 = vector.broadcast %gt3A_831 : f32 to vector<16xf32>
        %gt3A_833 = arith.cmpf ogt, %get3A_830, %gt3A_832 : vector<16xf32>
        %select_n3A_834 = arith.select %gt3A_833, %broadcast_in_dim3A_40, %broadcast_in_dim3A_38 : vector<16xi1>, vector<16xi32>
        %xor3A_835 = arith.xori %select_n3A_834, %select_n3A_716 : vector<16xi32>
        %add3A_836 = arith.addi %add3A_718, %xor3A_835 : vector<16xi32>
        %get3A_837 = arith.constant 0 : i32
        %get3A_838 = arith.constant 0 : i32
        %get3A_839 = tpu.memref_slice %arg4[%scan3A_476, %get3A_837, %get3A_838] : memref<2x256x128xf32, #tpu.memory_space<vmem>> -> memref<1x256x128xf32, #tpu.memory_space<vmem>>
        %get3A_840 = tpu.memref_squeeze %get3A_839 : memref<1x256x128xf32, #tpu.memory_space<vmem>> -> memref<256x128xf32, #tpu.memory_space<vmem>>
        %get3A_841 = arith.index_cast %add3A_738 : i32 to index
        %get3A_842 = arith.constant 112 : index
        %get3A_843 = tpu.vector_load %get3A_840[%get3A_841, %get3A_842] {strides = array<i32>} : memref<256x128xf32, #tpu.memory_space<vmem>>, vector<1x16xf32>,
        %get3A_844 = vector.shape_cast %get3A_843 : vector<1x16xf32> to vector<16xf32>
        %gt3A_845 = arith.constant 0.000000e+00 : f32
        %gt3A_846 = vector.broadcast %gt3A_845 : f32 to vector<16xf32>
        %gt3A_847 = arith.cmpf ogt, %get3A_844, %gt3A_846 : vector<16xf32>
        %select_n3A_848 = arith.select %gt3A_847, %broadcast_in_dim3A_40, %broadcast_in_dim3A_38 : vector<16xi1>, vector<16xi32>
        %xor3A_849 = arith.xori %select_n3A_848, %select_n3A_730 : vector<16xi32>
        %add3A_850 = arith.addi %add3A_732, %xor3A_849 : vector<16xi32>
        %scan3A_851 = arith.constant 3 : i32
        %scan3A_852 = arith.addi %scan3A_483, %scan3A_851 : i32
        %mul3A_853 = arith.constant 1 : i32
        %mul3A_854 = arith.muli %scan3A_852, %mul3A_853 : i32
        %add3A_855 = arith.constant 0 : i32
        %add3A_856 = arith.addi %add3A_855, %mul3A_854 : i32
        %get3A_857 = arith.constant 0 : i32
        %get3A_858 = arith.constant 0 : i32
        %get3A_859 = tpu.memref_slice %arg4[%scan3A_476, %get3A_857, %get3A_858] : memref<2x256x128xf32, #tpu.memory_space<vmem>> -> memref<1x256x128xf32, #tpu.memory_space<vmem>>
        %get3A_860 = tpu.memref_squeeze %get3A_859 : memref<1x256x128xf32, #tpu.memory_space<vmem>> -> memref<256x128xf32, #tpu.memory_space<vmem>>
        %get3A_861 = arith.index_cast %add3A_856 : i32 to index
        %get3A_862 = arith.constant 0 : index
        %get3A_863 = tpu.vector_load %get3A_860[%get3A_861, %get3A_862] {strides = array<i32>} : memref<256x128xf32, #tpu.memory_space<vmem>>, vector<1x16xf32>,
        %get3A_864 = vector.shape_cast %get3A_863 : vector<1x16xf32> to vector<16xf32>
        %gt3A_865 = arith.constant 0.000000e+00 : f32
        %gt3A_866 = vector.broadcast %gt3A_865 : f32 to vector<16xf32>
        %gt3A_867 = arith.cmpf ogt, %get3A_864, %gt3A_866 : vector<16xf32>
        %select_n3A_868 = arith.select %gt3A_867, %broadcast_in_dim3A_40, %broadcast_in_dim3A_38 : vector<16xi1>, vector<16xi32>
        %xor3A_869 = arith.xori %select_n3A_868, %select_n3A_750 : vector<16xi32>
        %add3A_870 = arith.addi %add3A_752, %xor3A_869 : vector<16xi32>
        %get3A_871 = arith.constant 0 : i32
        %get3A_872 = arith.constant 0 : i32
        %get3A_873 = tpu.memref_slice %arg4[%scan3A_476, %get3A_871, %get3A_872] : memref<2x256x128xf32, #tpu.memory_space<vmem>> -> memref<1x256x128xf32, #tpu.memory_space<vmem>>
        %get3A_874 = tpu.memref_squeeze %get3A_873 : memref<1x256x128xf32, #tpu.memory_space<vmem>> -> memref<256x128xf32, #tpu.memory_space<vmem>>
        %get3A_875 = arith.index_cast %add3A_856 : i32 to index
        %get3A_876 = arith.constant 16 : index
        %get3A_877 = tpu.vector_load %get3A_874[%get3A_875, %get3A_876] {strides = array<i32>} : memref<256x128xf32, #tpu.memory_space<vmem>>, vector<1x16xf32>,
        %get3A_878 = vector.shape_cast %get3A_877 : vector<1x16xf32> to vector<16xf32>
        %gt3A_879 = arith.constant 0.000000e+00 : f32
        %gt3A_880 = vector.broadcast %gt3A_879 : f32 to vector<16xf32>
        %gt3A_881 = arith.cmpf ogt, %get3A_878, %gt3A_880 : vector<16xf32>
        %select_n3A_882 = arith.select %gt3A_881, %broadcast_in_dim3A_40, %broadcast_in_dim3A_38 : vector<16xi1>, vector<16xi32>
        %xor3A_883 = arith.xori %select_n3A_882, %select_n3A_764 : vector<16xi32>
        %add3A_884 = arith.addi %add3A_766, %xor3A_883 : vector<16xi32>
        %get3A_885 = arith.constant 0 : i32
        %get3A_886 = arith.constant 0 : i32
        %get3A_887 = tpu.memref_slice %arg4[%scan3A_476, %get3A_885, %get3A_886] : memref<2x256x128xf32, #tpu.memory_space<vmem>> -> memref<1x256x128xf32, #tpu.memory_space<vmem>>
        %get3A_888 = tpu.memref_squeeze %get3A_887 : memref<1x256x128xf32, #tpu.memory_space<vmem>> -> memref<256x128xf32, #tpu.memory_space<vmem>>
        %get3A_889 = arith.index_cast %add3A_856 : i32 to index
        %get3A_890 = arith.constant 32 : index
        %get3A_891 = tpu.vector_load %get3A_888[%get3A_889, %get3A_890] {strides = array<i32>} : memref<256x128xf32, #tpu.memory_space<vmem>>, vector<1x16xf32>,
        %get3A_892 = vector.shape_cast %get3A_891 : vector<1x16xf32> to vector<16xf32>
        %gt3A_893 = arith.constant 0.000000e+00 : f32
        %gt3A_894 = vector.broadcast %gt3A_893 : f32 to vector<16xf32>
        %gt3A_895 = arith.cmpf ogt, %get3A_892, %gt3A_894 : vector<16xf32>
        %select_n3A_896 = arith.select %gt3A_895, %broadcast_in_dim3A_40, %broadcast_in_dim3A_38 : vector<16xi1>, vector<16xi32>
        %xor3A_897 = arith.xori %select_n3A_896, %select_n3A_778 : vector<16xi32>
        %add3A_898 = arith.addi %add3A_780, %xor3A_897 : vector<16xi32>
        %get3A_899 = arith.constant 0 : i32
        %get3A_900 = arith.constant 0 : i32
        %get3A_901 = tpu.memref_slice %arg4[%scan3A_476, %get3A_899, %get3A_900] : memref<2x256x128xf32, #tpu.memory_space<vmem>> -> memref<1x256x128xf32, #tpu.memory_space<vmem>>
        %get3A_902 = tpu.memref_squeeze %get3A_901 : memref<1x256x128xf32, #tpu.memory_space<vmem>> -> memref<256x128xf32, #tpu.memory_space<vmem>>
        %get3A_903 = arith.index_cast %add3A_856 : i32 to index
        %get3A_904 = arith.constant 48 : index
        %get3A_905 = tpu.vector_load %get3A_902[%get3A_903, %get3A_904] {strides = array<i32>} : memref<256x128xf32, #tpu.memory_space<vmem>>, vector<1x16xf32>,
        %get3A_906 = vector.shape_cast %get3A_905 : vector<1x16xf32> to vector<16xf32>
        %gt3A_907 = arith.constant 0.000000e+00 : f32
        %gt3A_908 = vector.broadcast %gt3A_907 : f32 to vector<16xf32>
        %gt3A_909 = arith.cmpf ogt, %get3A_906, %gt3A_908 : vector<16xf32>
        %select_n3A_910 = arith.select %gt3A_909, %broadcast_in_dim3A_40, %broadcast_in_dim3A_38 : vector<16xi1>, vector<16xi32>
        %xor3A_911 = arith.xori %select_n3A_910, %select_n3A_792 : vector<16xi32>
        %add3A_912 = arith.addi %add3A_794, %xor3A_911 : vector<16xi32>
        %get3A_913 = arith.constant 0 : i32
        %get3A_914 = arith.constant 0 : i32
        %get3A_915 = tpu.memref_slice %arg4[%scan3A_476, %get3A_913, %get3A_914] : memref<2x256x128xf32, #tpu.memory_space<vmem>> -> memref<1x256x128xf32, #tpu.memory_space<vmem>>
        %get3A_916 = tpu.memref_squeeze %get3A_915 : memref<1x256x128xf32, #tpu.memory_space<vmem>> -> memref<256x128xf32, #tpu.memory_space<vmem>>
        %get3A_917 = arith.index_cast %add3A_856 : i32 to index
        %get3A_918 = arith.constant 64 : index
        %get3A_919 = tpu.vector_load %get3A_916[%get3A_917, %get3A_918] {strides = array<i32>} : memref<256x128xf32, #tpu.memory_space<vmem>>, vector<1x16xf32>,
        %get3A_920 = vector.shape_cast %get3A_919 : vector<1x16xf32> to vector<16xf32>
        %gt3A_921 = arith.constant 0.000000e+00 : f32
        %gt3A_922 = vector.broadcast %gt3A_921 : f32 to vector<16xf32>
        %gt3A_923 = arith.cmpf ogt, %get3A_920, %gt3A_922 : vector<16xf32>
        %select_n3A_924 = arith.select %gt3A_923, %broadcast_in_dim3A_40, %broadcast_in_dim3A_38 : vector<16xi1>, vector<16xi32>
        %xor3A_925 = arith.xori %select_n3A_924, %select_n3A_806 : vector<16xi32>
        %add3A_926 = arith.addi %add3A_808, %xor3A_925 : vector<16xi32>
        %get3A_927 = arith.constant 0 : i32
        %get3A_928 = arith.constant 0 : i32
        %get3A_929 = tpu.memref_slice %arg4[%scan3A_476, %get3A_927, %get3A_928] : memref<2x256x128xf32, #tpu.memory_space<vmem>> -> memref<1x256x128xf32, #tpu.memory_space<vmem>>
        %get3A_930 = tpu.memref_squeeze %get3A_929 : memref<1x256x128xf32, #tpu.memory_space<vmem>> -> memref<256x128xf32, #tpu.memory_space<vmem>>
        %get3A_931 = arith.index_cast %add3A_856 : i32 to index
        %get3A_932 = arith.constant 80 : index
        %get3A_933 = tpu.vector_load %get3A_930[%get3A_931, %get3A_932] {strides = array<i32>} : memref<256x128xf32, #tpu.memory_space<vmem>>, vector<1x16xf32>,
        %get3A_934 = vector.shape_cast %get3A_933 : vector<1x16xf32> to vector<16xf32>
        %gt3A_935 = arith.constant 0.000000e+00 : f32
        %gt3A_936 = vector.broadcast %gt3A_935 : f32 to vector<16xf32>
        %gt3A_937 = arith.cmpf ogt, %get3A_934, %gt3A_936 : vector<16xf32>
        %select_n3A_938 = arith.select %gt3A_937, %broadcast_in_dim3A_40, %broadcast_in_dim3A_38 : vector<16xi1>, vector<16xi32>
        %xor3A_939 = arith.xori %select_n3A_938, %select_n3A_820 : vector<16xi32>
        %add3A_940 = arith.addi %add3A_822, %xor3A_939 : vector<16xi32>
        %get3A_941 = arith.constant 0 : i32
        %get3A_942 = arith.constant 0 : i32
        %get3A_943 = tpu.memref_slice %arg4[%scan3A_476, %get3A_941, %get3A_942] : memref<2x256x128xf32, #tpu.memory_space<vmem>> -> memref<1x256x128xf32, #tpu.memory_space<vmem>>
        %get3A_944 = tpu.memref_squeeze %get3A_943 : memref<1x256x128xf32, #tpu.memory_space<vmem>> -> memref<256x128xf32, #tpu.memory_space<vmem>>
        %get3A_945 = arith.index_cast %add3A_856 : i32 to index
        %get3A_946 = arith.constant 96 : index
        %get3A_947 = tpu.vector_load %get3A_944[%get3A_945, %get3A_946] {strides = array<i32>} : memref<256x128xf32, #tpu.memory_space<vmem>>, vector<1x16xf32>,
        %get3A_948 = vector.shape_cast %get3A_947 : vector<1x16xf32> to vector<16xf32>
        %gt3A_949 = arith.constant 0.000000e+00 : f32
        %gt3A_950 = vector.broadcast %gt3A_949 : f32 to vector<16xf32>
        %gt3A_951 = arith.cmpf ogt, %get3A_948, %gt3A_950 : vector<16xf32>
        %select_n3A_952 = arith.select %gt3A_951, %broadcast_in_dim3A_40, %broadcast_in_dim3A_38 : vector<16xi1>, vector<16xi32>
        %xor3A_953 = arith.xori %select_n3A_952, %select_n3A_834 : vector<16xi32>
        %add3A_954 = arith.addi %add3A_836, %xor3A_953 : vector<16xi32>
        %get3A_955 = arith.constant 0 : i32
        %get3A_956 = arith.constant 0 : i32
        %get3A_957 = tpu.memref_slice %arg4[%scan3A_476, %get3A_955, %get3A_956] : memref<2x256x128xf32, #tpu.memory_space<vmem>> -> memref<1x256x128xf32, #tpu.memory_space<vmem>>
        %get3A_958 = tpu.memref_squeeze %get3A_957 : memref<1x256x128xf32, #tpu.memory_space<vmem>> -> memref<256x128xf32, #tpu.memory_space<vmem>>
        %get3A_959 = arith.index_cast %add3A_856 : i32 to index
        %get3A_960 = arith.constant 112 : index
        %get3A_961 = tpu.vector_load %get3A_958[%get3A_959, %get3A_960] {strides = array<i32>} : memref<256x128xf32, #tpu.memory_space<vmem>>, vector<1x16xf32>,
        %get3A_962 = vector.shape_cast %get3A_961 : vector<1x16xf32> to vector<16xf32>
        %gt3A_963 = arith.constant 0.000000e+00 : f32
        %gt3A_964 = vector.broadcast %gt3A_963 : f32 to vector<16xf32>
        %gt3A_965 = arith.cmpf ogt, %get3A_962, %gt3A_964 : vector<16xf32>
        %select_n3A_966 = arith.select %gt3A_965, %broadcast_in_dim3A_40, %broadcast_in_dim3A_38 : vector<16xi1>, vector<16xi32>
        %xor3A_967 = arith.xori %select_n3A_966, %select_n3A_848 : vector<16xi32>
        %add3A_968 = arith.addi %add3A_850, %xor3A_967 : vector<16xi32>
        scf.yield %add3A_870, %add3A_884, %add3A_898, %add3A_912, %add3A_926, %add3A_940, %add3A_954, %add3A_968, %select_n3A_868, %select_n3A_882, %select_n3A_896, %select_n3A_910, %select_n3A_924, %select_n3A_938, %select_n3A_952, %select_n3A_966 : vector<16xi32>, vector<16xi32>, vector<16xi32>, vector<16xi32>, vector<16xi32>, vector<16xi32>, vector<16xi32>, vector<16xi32>, vector<16xi32>, vector<16xi32>, vector<16xi32>, vector<16xi32>, vector<16xi32>, vector<16xi32>, vector<16xi32>, vector<16xi32>
      }
      %scan3A_482 = arith.constant 256 : i32
      scf.yield %scan3A_481#0, %scan3A_481#1, %scan3A_481#2, %scan3A_481#3, %scan3A_481#4, %scan3A_481#5, %scan3A_481#6, %scan3A_481#7, %scan3A_481#8, %scan3A_481#9, %scan3A_481#10, %scan3A_481#11, %scan3A_481#12, %scan3A_481#13, %scan3A_481#14, %scan3A_481#15 : vector<16xi32>, vector<16xi32>, vector<16xi32>, vector<16xi32>, vector<16xi32>, vector<16xi32>, vector<16xi32>, vector<16xi32>, vector<16xi32>, vector<16xi32>, vector<16xi32>, vector<16xi32>, vector<16xi32>, vector<16xi32>, vector<16xi32>, vector<16xi32>
    }
    %scan3A_45 = arith.constant 16 : i32
    %dma_wait3A = arith.constant 0 : i32
    %dma_wait3A_46 = arith.constant 0 : i32
    %dma_wait3A_47 = tpu.memref_slice %arg5[%dma_wait3A, %dma_wait3A_46] : memref<2x128xf32, #tpu.memory_space<vmem>> -> memref<1x128xf32, #tpu.memory_space<vmem>>
    %dma_wait3A_48 = arith.constant 0 : i32
    %dma_wait3A_49 = tpu.memref_slice %arg2[%mul3A_2, %dma_wait3A_48] : memref<262144x128xf32, #tpu.memory_space<hbm>> -> memref<1x128xf32, #tpu.memory_space<hbm>>
    %dma_wait3A_50 = arith.constant 0 : i32
    %dma_wait3A_51 = arith.constant 0 : i32
    %dma_wait3A_52 = tpu.memref_slice %arg5[%dma_wait3A_50, %dma_wait3A_51] : memref<2x128xf32, #tpu.memory_space<vmem>> -> memref<1x128xf32, #tpu.memory_space<vmem>>
    %dma_wait3A_53 = arith.constant 0 : i32
    %dma_wait3A_54 = tpu.memref_slice %arg2[%mul3A_2, %dma_wait3A_53] : memref<262144x128xf32, #tpu.memory_space<hbm>> -> memref<1x128xf32, #tpu.memory_space<hbm>>
    tpu.wait_dma2 semaphore(%arg9 : memref<!tpu.dma_semaphore, #tpu.memory_space<semaphore_mem>>) src(%dma_wait3A_54 : memref<1x128xf32, #tpu.memory_space<hbm>>) dst(%dma_wait3A_52 : memref<1x128xf32, #tpu.memory_space<vmem>>)
    %dma_wait3A_55 = arith.constant 1 : i32
    %dma_wait3A_56 = arith.constant 0 : i32
    %dma_wait3A_57 = tpu.memref_slice %arg5[%dma_wait3A_55, %dma_wait3A_56] : memref<2x128xf32, #tpu.memory_space<vmem>> -> memref<1x128xf32, #tpu.memory_space<vmem>>
    %dma_wait3A_58 = arith.constant 0 : i32
    %dma_wait3A_59 = tpu.memref_slice %arg2[%min3A_5, %dma_wait3A_58] : memref<262144x128xf32, #tpu.memory_space<hbm>> -> memref<1x128xf32, #tpu.memory_space<hbm>>
    %dma_wait3A_60 = arith.constant 1 : i32
    %dma_wait3A_61 = arith.constant 0 : i32
    %dma_wait3A_62 = tpu.memref_slice %arg5[%dma_wait3A_60, %dma_wait3A_61] : memref<2x128xf32, #tpu.memory_space<vmem>> -> memref<1x128xf32, #tpu.memory_space<vmem>>
    %dma_wait3A_63 = arith.constant 0 : i32
    %dma_wait3A_64 = tpu.memref_slice %arg2[%min3A_5, %dma_wait3A_63] : memref<262144x128xf32, #tpu.memory_space<hbm>> -> memref<1x128xf32, #tpu.memory_space<hbm>>
    tpu.wait_dma2 semaphore(%arg10 : memref<!tpu.dma_semaphore, #tpu.memory_space<semaphore_mem>>) src(%dma_wait3A_64 : memref<1x128xf32, #tpu.memory_space<hbm>>) dst(%dma_wait3A_62 : memref<1x128xf32, #tpu.memory_space<vmem>>)
    %lt3A = arith.constant 31 : i32
    %lt3A_65 = arith.cmpi slt, %add3A, %lt3A : i32
    %jit3A = arith.constant 2 : i32
    %jit3A_66 = arith.constant 0 : i32
    %select_n3A = arith.select %lt3A_65, %jit3A, %jit3A_66 : i32
    %get3A = arith.constant 0 : i32
    %get3A_67 = arith.index_cast %get3A : i32 to index
    %get3A_68 = arith.constant 0 : index
    %get3A_69 = tpu.vector_load %arg5[%get3A_67, %get3A_68] {strides = array<i32>} : memref<2x128xf32, #tpu.memory_space<vmem>>, vector<1x16xf32>,
    %get3A_70 = vector.shape_cast %get3A_69 : vector<1x16xf32> to vector<16xf32>
    %get3A_71 = arith.constant 1 : i32
    %get3A_72 = arith.index_cast %get3A_71 : i32 to index
    %get3A_73 = arith.constant 0 : index
    %get3A_74 = tpu.vector_load %arg5[%get3A_72, %get3A_73] {strides = array<i32>} : memref<2x128xf32, #tpu.memory_space<vmem>>, vector<1x16xf32>,
    %get3A_75 = vector.shape_cast %get3A_74 : vector<1x16xf32> to vector<16xf32>
    %gt3A = arith.constant 0.000000e+00 : f32
    %gt3A_76 = vector.broadcast %gt3A : f32 to vector<16xf32>
    %gt3A_77 = arith.cmpf ogt, %get3A_70, %gt3A_76 : vector<16xf32>
    %select_n3A_78 = arith.select %gt3A_77, %broadcast_in_dim3A_40, %broadcast_in_dim3A_38 : vector<16xi1>, vector<16xi32>
    %gt3A_79 = arith.constant 0.000000e+00 : f32
    %gt3A_80 = vector.broadcast %gt3A_79 : f32 to vector<16xf32>
    %gt3A_81 = arith.cmpf ogt, %get3A_75, %gt3A_80 : vector<16xf32>
    %jit3A_82 = arith.constant 0 : i32
    %broadcast_in_dim3A_83 = vector.broadcast %select_n3A : i32 to vector<16xi32>
    %broadcast_in_dim3A_84 = vector.broadcast %jit3A_82 : i32 to vector<16xi32>
    %select_n3A_85 = arith.select %gt3A_81, %broadcast_in_dim3A_83, %broadcast_in_dim3A_84 : vector<16xi1>, vector<16xi32>
    %add3A_86 = arith.addi %scan3A_44#0, %scan3A_44#8 : vector<16xi32>
    %mul3A_87 = arith.constant 2 : i32
    %mul3A_88 = vector.broadcast %mul3A_87 : i32 to vector<16xi32>
    %mul3A_89 = arith.muli %mul3A_88, %select_n3A_78 : vector<16xi32>
    %sub3A = arith.subi %add3A_86, %mul3A_89 : vector<16xi32>
    %sub3A_90 = arith.constant 1 : i32
    %sub3A_91 = vector.broadcast %sub3A_90 : i32 to vector<16xi32>
    %sub3A_92 = arith.subi %sub3A_91, %scan3A_44#8 : vector<16xi32>
    %mul3A_93 = arith.muli %select_n3A_85, %sub3A_92 : vector<16xi32>
    %add3A_94 = arith.addi %sub3A, %mul3A_93 : vector<16xi32>
    %convert_element_type3A = arith.sitofp %add3A_94 : vector<16xi32> to vector<16xf32>
    %mul3A_95 = arith.constant 5.000000e-01 : f32
    %mul3A_96 = vector.broadcast %mul3A_95 : f32 to vector<16xf32>
    %mul3A_97 = arith.mulf %convert_element_type3A, %mul3A_96 : vector<16xf32>
    %swap3A = arith.constant 0 : i32
    %swap3A_98 = arith.index_cast %swap3A : i32 to index
    %swap3A_99 = arith.constant 0 : index
    %swap3A_100 = tpu.vector_load %arg6[%swap3A_98, %swap3A_99] {strides = array<i32>} : memref<1x128xf32, #tpu.memory_space<vmem>>, vector<1x16xf32>,
    %swap3A_101 = vector.shape_cast %swap3A_100 : vector<1x16xf32> to vector<16xf32>
    %swap3A_102 = vector.shape_cast %mul3A_97 : vector<16xf32> to vector<1x16xf32>
    tpu.vector_store %arg6[%swap3A_98, %swap3A_99], %swap3A_102 {strides = array<i32>} : memref<1x128xf32, #tpu.memory_space<vmem>>, vector<1x16xf32>,
    %get3A_103 = arith.constant 0 : i32
    %get3A_104 = arith.index_cast %get3A_103 : i32 to index
    %get3A_105 = arith.constant 16 : index
    %get3A_106 = tpu.vector_load %arg5[%get3A_104, %get3A_105] {strides = array<i32>} : memref<2x128xf32, #tpu.memory_space<vmem>>, vector<1x16xf32>,
    %get3A_107 = vector.shape_cast %get3A_106 : vector<1x16xf32> to vector<16xf32>
    %get3A_108 = arith.constant 1 : i32
    %get3A_109 = arith.index_cast %get3A_108 : i32 to index
    %get3A_110 = arith.constant 16 : index
    %get3A_111 = tpu.vector_load %arg5[%get3A_109, %get3A_110] {strides = array<i32>} : memref<2x128xf32, #tpu.memory_space<vmem>>, vector<1x16xf32>,
    %get3A_112 = vector.shape_cast %get3A_111 : vector<1x16xf32> to vector<16xf32>
    %gt3A_113 = arith.constant 0.000000e+00 : f32
    %gt3A_114 = vector.broadcast %gt3A_113 : f32 to vector<16xf32>
    %gt3A_115 = arith.cmpf ogt, %get3A_107, %gt3A_114 : vector<16xf32>
    %select_n3A_116 = arith.select %gt3A_115, %broadcast_in_dim3A_40, %broadcast_in_dim3A_38 : vector<16xi1>, vector<16xi32>
    %gt3A_117 = arith.constant 0.000000e+00 : f32
    %gt3A_118 = vector.broadcast %gt3A_117 : f32 to vector<16xf32>
    %gt3A_119 = arith.cmpf ogt, %get3A_112, %gt3A_118 : vector<16xf32>
    %jit3A_120 = arith.constant 0 : i32
    %broadcast_in_dim3A_121 = vector.broadcast %select_n3A : i32 to vector<16xi32>
    %broadcast_in_dim3A_122 = vector.broadcast %jit3A_120 : i32 to vector<16xi32>
    %select_n3A_123 = arith.select %gt3A_119, %broadcast_in_dim3A_121, %broadcast_in_dim3A_122 : vector<16xi1>, vector<16xi32>
    %add3A_124 = arith.addi %scan3A_44#1, %scan3A_44#9 : vector<16xi32>
    %mul3A_125 = arith.constant 2 : i32
    %mul3A_126 = vector.broadcast %mul3A_125 : i32 to vector<16xi32>
    %mul3A_127 = arith.muli %mul3A_126, %select_n3A_116 : vector<16xi32>
    %sub3A_128 = arith.subi %add3A_124, %mul3A_127 : vector<16xi32>
    %sub3A_129 = arith.constant 1 : i32
    %sub3A_130 = vector.broadcast %sub3A_129 : i32 to vector<16xi32>
    %sub3A_131 = arith.subi %sub3A_130, %scan3A_44#9 : vector<16xi32>
    %mul3A_132 = arith.muli %select_n3A_123, %sub3A_131 : vector<16xi32>
    %add3A_133 = arith.addi %sub3A_128, %mul3A_132 : vector<16xi32>
    %convert_element_type3A_134 = arith.sitofp %add3A_133 : vector<16xi32> to vector<16xf32>
    %mul3A_135 = arith.constant 5.000000e-01 : f32
    %mul3A_136 = vector.broadcast %mul3A_135 : f32 to vector<16xf32>
    %mul3A_137 = arith.mulf %convert_element_type3A_134, %mul3A_136 : vector<16xf32>
    %swap3A_138 = arith.constant 0 : i32
    %swap3A_139 = arith.index_cast %swap3A_138 : i32 to index
    %swap3A_140 = arith.constant 16 : index
    %swap3A_141 = tpu.vector_load %arg6[%swap3A_139, %swap3A_140] {strides = array<i32>} : memref<1x128xf32, #tpu.memory_space<vmem>>, vector<1x16xf32>,
    %swap3A_142 = vector.shape_cast %swap3A_141 : vector<1x16xf32> to vector<16xf32>
    %swap3A_143 = vector.shape_cast %mul3A_137 : vector<16xf32> to vector<1x16xf32>
    tpu.vector_store %arg6[%swap3A_139, %swap3A_140], %swap3A_143 {strides = array<i32>} : memref<1x128xf32, #tpu.memory_space<vmem>>, vector<1x16xf32>,
    %get3A_144 = arith.constant 0 : i32
    %get3A_145 = arith.index_cast %get3A_144 : i32 to index
    %get3A_146 = arith.constant 32 : index
    %get3A_147 = tpu.vector_load %arg5[%get3A_145, %get3A_146] {strides = array<i32>} : memref<2x128xf32, #tpu.memory_space<vmem>>, vector<1x16xf32>,
    %get3A_148 = vector.shape_cast %get3A_147 : vector<1x16xf32> to vector<16xf32>
    %get3A_149 = arith.constant 1 : i32
    %get3A_150 = arith.index_cast %get3A_149 : i32 to index
    %get3A_151 = arith.constant 32 : index
    %get3A_152 = tpu.vector_load %arg5[%get3A_150, %get3A_151] {strides = array<i32>} : memref<2x128xf32, #tpu.memory_space<vmem>>, vector<1x16xf32>,
    %get3A_153 = vector.shape_cast %get3A_152 : vector<1x16xf32> to vector<16xf32>
    %gt3A_154 = arith.constant 0.000000e+00 : f32
    %gt3A_155 = vector.broadcast %gt3A_154 : f32 to vector<16xf32>
    %gt3A_156 = arith.cmpf ogt, %get3A_148, %gt3A_155 : vector<16xf32>
    %select_n3A_157 = arith.select %gt3A_156, %broadcast_in_dim3A_40, %broadcast_in_dim3A_38 : vector<16xi1>, vector<16xi32>
    %gt3A_158 = arith.constant 0.000000e+00 : f32
    %gt3A_159 = vector.broadcast %gt3A_158 : f32 to vector<16xf32>
    %gt3A_160 = arith.cmpf ogt, %get3A_153, %gt3A_159 : vector<16xf32>
    %jit3A_161 = arith.constant 0 : i32
    %broadcast_in_dim3A_162 = vector.broadcast %select_n3A : i32 to vector<16xi32>
    %broadcast_in_dim3A_163 = vector.broadcast %jit3A_161 : i32 to vector<16xi32>
    %select_n3A_164 = arith.select %gt3A_160, %broadcast_in_dim3A_162, %broadcast_in_dim3A_163 : vector<16xi1>, vector<16xi32>
    %add3A_165 = arith.addi %scan3A_44#2, %scan3A_44#10 : vector<16xi32>
    %mul3A_166 = arith.constant 2 : i32
    %mul3A_167 = vector.broadcast %mul3A_166 : i32 to vector<16xi32>
    %mul3A_168 = arith.muli %mul3A_167, %select_n3A_157 : vector<16xi32>
    %sub3A_169 = arith.subi %add3A_165, %mul3A_168 : vector<16xi32>
    %sub3A_170 = arith.constant 1 : i32
    %sub3A_171 = vector.broadcast %sub3A_170 : i32 to vector<16xi32>
    %sub3A_172 = arith.subi %sub3A_171, %scan3A_44#10 : vector<16xi32>
    %mul3A_173 = arith.muli %select_n3A_164, %sub3A_172 : vector<16xi32>
    %add3A_174 = arith.addi %sub3A_169, %mul3A_173 : vector<16xi32>
    %convert_element_type3A_175 = arith.sitofp %add3A_174 : vector<16xi32> to vector<16xf32>
    %mul3A_176 = arith.constant 5.000000e-01 : f32
    %mul3A_177 = vector.broadcast %mul3A_176 : f32 to vector<16xf32>
    %mul3A_178 = arith.mulf %convert_element_type3A_175, %mul3A_177 : vector<16xf32>
    %swap3A_179 = arith.constant 0 : i32
    %swap3A_180 = arith.index_cast %swap3A_179 : i32 to index
    %swap3A_181 = arith.constant 32 : index
    %swap3A_182 = tpu.vector_load %arg6[%swap3A_180, %swap3A_181] {strides = array<i32>} : memref<1x128xf32, #tpu.memory_space<vmem>>, vector<1x16xf32>,
    %swap3A_183 = vector.shape_cast %swap3A_182 : vector<1x16xf32> to vector<16xf32>
    %swap3A_184 = vector.shape_cast %mul3A_178 : vector<16xf32> to vector<1x16xf32>
    tpu.vector_store %arg6[%swap3A_180, %swap3A_181], %swap3A_184 {strides = array<i32>} : memref<1x128xf32, #tpu.memory_space<vmem>>, vector<1x16xf32>,
    %get3A_185 = arith.constant 0 : i32
    %get3A_186 = arith.index_cast %get3A_185 : i32 to index
    %get3A_187 = arith.constant 48 : index
    %get3A_188 = tpu.vector_load %arg5[%get3A_186, %get3A_187] {strides = array<i32>} : memref<2x128xf32, #tpu.memory_space<vmem>>, vector<1x16xf32>,
    %get3A_189 = vector.shape_cast %get3A_188 : vector<1x16xf32> to vector<16xf32>
    %get3A_190 = arith.constant 1 : i32
    %get3A_191 = arith.index_cast %get3A_190 : i32 to index
    %get3A_192 = arith.constant 48 : index
    %get3A_193 = tpu.vector_load %arg5[%get3A_191, %get3A_192] {strides = array<i32>} : memref<2x128xf32, #tpu.memory_space<vmem>>, vector<1x16xf32>,
    %get3A_194 = vector.shape_cast %get3A_193 : vector<1x16xf32> to vector<16xf32>
    %gt3A_195 = arith.constant 0.000000e+00 : f32
    %gt3A_196 = vector.broadcast %gt3A_195 : f32 to vector<16xf32>
    %gt3A_197 = arith.cmpf ogt, %get3A_189, %gt3A_196 : vector<16xf32>
    %select_n3A_198 = arith.select %gt3A_197, %broadcast_in_dim3A_40, %broadcast_in_dim3A_38 : vector<16xi1>, vector<16xi32>
    %gt3A_199 = arith.constant 0.000000e+00 : f32
    %gt3A_200 = vector.broadcast %gt3A_199 : f32 to vector<16xf32>
    %gt3A_201 = arith.cmpf ogt, %get3A_194, %gt3A_200 : vector<16xf32>
    %jit3A_202 = arith.constant 0 : i32
    %broadcast_in_dim3A_203 = vector.broadcast %select_n3A : i32 to vector<16xi32>
    %broadcast_in_dim3A_204 = vector.broadcast %jit3A_202 : i32 to vector<16xi32>
    %select_n3A_205 = arith.select %gt3A_201, %broadcast_in_dim3A_203, %broadcast_in_dim3A_204 : vector<16xi1>, vector<16xi32>
    %add3A_206 = arith.addi %scan3A_44#3, %scan3A_44#11 : vector<16xi32>
    %mul3A_207 = arith.constant 2 : i32
    %mul3A_208 = vector.broadcast %mul3A_207 : i32 to vector<16xi32>
    %mul3A_209 = arith.muli %mul3A_208, %select_n3A_198 : vector<16xi32>
    %sub3A_210 = arith.subi %add3A_206, %mul3A_209 : vector<16xi32>
    %sub3A_211 = arith.constant 1 : i32
    %sub3A_212 = vector.broadcast %sub3A_211 : i32 to vector<16xi32>
    %sub3A_213 = arith.subi %sub3A_212, %scan3A_44#11 : vector<16xi32>
    %mul3A_214 = arith.muli %select_n3A_205, %sub3A_213 : vector<16xi32>
    %add3A_215 = arith.addi %sub3A_210, %mul3A_214 : vector<16xi32>
    %convert_element_type3A_216 = arith.sitofp %add3A_215 : vector<16xi32> to vector<16xf32>
    %mul3A_217 = arith.constant 5.000000e-01 : f32
    %mul3A_218 = vector.broadcast %mul3A_217 : f32 to vector<16xf32>
    %mul3A_219 = arith.mulf %convert_element_type3A_216, %mul3A_218 : vector<16xf32>
    %swap3A_220 = arith.constant 0 : i32
    %swap3A_221 = arith.index_cast %swap3A_220 : i32 to index
    %swap3A_222 = arith.constant 48 : index
    %swap3A_223 = tpu.vector_load %arg6[%swap3A_221, %swap3A_222] {strides = array<i32>} : memref<1x128xf32, #tpu.memory_space<vmem>>, vector<1x16xf32>,
    %swap3A_224 = vector.shape_cast %swap3A_223 : vector<1x16xf32> to vector<16xf32>
    %swap3A_225 = vector.shape_cast %mul3A_219 : vector<16xf32> to vector<1x16xf32>
    tpu.vector_store %arg6[%swap3A_221, %swap3A_222], %swap3A_225 {strides = array<i32>} : memref<1x128xf32, #tpu.memory_space<vmem>>, vector<1x16xf32>,
    %get3A_226 = arith.constant 0 : i32
    %get3A_227 = arith.index_cast %get3A_226 : i32 to index
    %get3A_228 = arith.constant 64 : index
    %get3A_229 = tpu.vector_load %arg5[%get3A_227, %get3A_228] {strides = array<i32>} : memref<2x128xf32, #tpu.memory_space<vmem>>, vector<1x16xf32>,
    %get3A_230 = vector.shape_cast %get3A_229 : vector<1x16xf32> to vector<16xf32>
    %get3A_231 = arith.constant 1 : i32
    %get3A_232 = arith.index_cast %get3A_231 : i32 to index
    %get3A_233 = arith.constant 64 : index
    %get3A_234 = tpu.vector_load %arg5[%get3A_232, %get3A_233] {strides = array<i32>} : memref<2x128xf32, #tpu.memory_space<vmem>>, vector<1x16xf32>,
    %get3A_235 = vector.shape_cast %get3A_234 : vector<1x16xf32> to vector<16xf32>
    %gt3A_236 = arith.constant 0.000000e+00 : f32
    %gt3A_237 = vector.broadcast %gt3A_236 : f32 to vector<16xf32>
    %gt3A_238 = arith.cmpf ogt, %get3A_230, %gt3A_237 : vector<16xf32>
    %select_n3A_239 = arith.select %gt3A_238, %broadcast_in_dim3A_40, %broadcast_in_dim3A_38 : vector<16xi1>, vector<16xi32>
    %gt3A_240 = arith.constant 0.000000e+00 : f32
    %gt3A_241 = vector.broadcast %gt3A_240 : f32 to vector<16xf32>
    %gt3A_242 = arith.cmpf ogt, %get3A_235, %gt3A_241 : vector<16xf32>
    %jit3A_243 = arith.constant 0 : i32
    %broadcast_in_dim3A_244 = vector.broadcast %select_n3A : i32 to vector<16xi32>
    %broadcast_in_dim3A_245 = vector.broadcast %jit3A_243 : i32 to vector<16xi32>
    %select_n3A_246 = arith.select %gt3A_242, %broadcast_in_dim3A_244, %broadcast_in_dim3A_245 : vector<16xi1>, vector<16xi32>
    %add3A_247 = arith.addi %scan3A_44#4, %scan3A_44#12 : vector<16xi32>
    %mul3A_248 = arith.constant 2 : i32
    %mul3A_249 = vector.broadcast %mul3A_248 : i32 to vector<16xi32>
    %mul3A_250 = arith.muli %mul3A_249, %select_n3A_239 : vector<16xi32>
    %sub3A_251 = arith.subi %add3A_247, %mul3A_250 : vector<16xi32>
    %sub3A_252 = arith.constant 1 : i32
    %sub3A_253 = vector.broadcast %sub3A_252 : i32 to vector<16xi32>
    %sub3A_254 = arith.subi %sub3A_253, %scan3A_44#12 : vector<16xi32>
    %mul3A_255 = arith.muli %select_n3A_246, %sub3A_254 : vector<16xi32>
    %add3A_256 = arith.addi %sub3A_251, %mul3A_255 : vector<16xi32>
    %convert_element_type3A_257 = arith.sitofp %add3A_256 : vector<16xi32> to vector<16xf32>
    %mul3A_258 = arith.constant 5.000000e-01 : f32
    %mul3A_259 = vector.broadcast %mul3A_258 : f32 to vector<16xf32>
    %mul3A_260 = arith.mulf %convert_element_type3A_257, %mul3A_259 : vector<16xf32>
    %swap3A_261 = arith.constant 0 : i32
    %swap3A_262 = arith.index_cast %swap3A_261 : i32 to index
    %swap3A_263 = arith.constant 64 : index
    %swap3A_264 = tpu.vector_load %arg6[%swap3A_262, %swap3A_263] {strides = array<i32>} : memref<1x128xf32, #tpu.memory_space<vmem>>, vector<1x16xf32>,
    %swap3A_265 = vector.shape_cast %swap3A_264 : vector<1x16xf32> to vector<16xf32>
    %swap3A_266 = vector.shape_cast %mul3A_260 : vector<16xf32> to vector<1x16xf32>
    tpu.vector_store %arg6[%swap3A_262, %swap3A_263], %swap3A_266 {strides = array<i32>} : memref<1x128xf32, #tpu.memory_space<vmem>>, vector<1x16xf32>,
    %get3A_267 = arith.constant 0 : i32
    %get3A_268 = arith.index_cast %get3A_267 : i32 to index
    %get3A_269 = arith.constant 80 : index
    %get3A_270 = tpu.vector_load %arg5[%get3A_268, %get3A_269] {strides = array<i32>} : memref<2x128xf32, #tpu.memory_space<vmem>>, vector<1x16xf32>,
    %get3A_271 = vector.shape_cast %get3A_270 : vector<1x16xf32> to vector<16xf32>
    %get3A_272 = arith.constant 1 : i32
    %get3A_273 = arith.index_cast %get3A_272 : i32 to index
    %get3A_274 = arith.constant 80 : index
    %get3A_275 = tpu.vector_load %arg5[%get3A_273, %get3A_274] {strides = array<i32>} : memref<2x128xf32, #tpu.memory_space<vmem>>, vector<1x16xf32>,
    %get3A_276 = vector.shape_cast %get3A_275 : vector<1x16xf32> to vector<16xf32>
    %gt3A_277 = arith.constant 0.000000e+00 : f32
    %gt3A_278 = vector.broadcast %gt3A_277 : f32 to vector<16xf32>
    %gt3A_279 = arith.cmpf ogt, %get3A_271, %gt3A_278 : vector<16xf32>
    %select_n3A_280 = arith.select %gt3A_279, %broadcast_in_dim3A_40, %broadcast_in_dim3A_38 : vector<16xi1>, vector<16xi32>
    %gt3A_281 = arith.constant 0.000000e+00 : f32
    %gt3A_282 = vector.broadcast %gt3A_281 : f32 to vector<16xf32>
    %gt3A_283 = arith.cmpf ogt, %get3A_276, %gt3A_282 : vector<16xf32>
    %jit3A_284 = arith.constant 0 : i32
    %broadcast_in_dim3A_285 = vector.broadcast %select_n3A : i32 to vector<16xi32>
    %broadcast_in_dim3A_286 = vector.broadcast %jit3A_284 : i32 to vector<16xi32>
    %select_n3A_287 = arith.select %gt3A_283, %broadcast_in_dim3A_285, %broadcast_in_dim3A_286 : vector<16xi1>, vector<16xi32>
    %add3A_288 = arith.addi %scan3A_44#5, %scan3A_44#13 : vector<16xi32>
    %mul3A_289 = arith.constant 2 : i32
    %mul3A_290 = vector.broadcast %mul3A_289 : i32 to vector<16xi32>
    %mul3A_291 = arith.muli %mul3A_290, %select_n3A_280 : vector<16xi32>
    %sub3A_292 = arith.subi %add3A_288, %mul3A_291 : vector<16xi32>
    %sub3A_293 = arith.constant 1 : i32
    %sub3A_294 = vector.broadcast %sub3A_293 : i32 to vector<16xi32>
    %sub3A_295 = arith.subi %sub3A_294, %scan3A_44#13 : vector<16xi32>
    %mul3A_296 = arith.muli %select_n3A_287, %sub3A_295 : vector<16xi32>
    %add3A_297 = arith.addi %sub3A_292, %mul3A_296 : vector<16xi32>
    %convert_element_type3A_298 = arith.sitofp %add3A_297 : vector<16xi32> to vector<16xf32>
    %mul3A_299 = arith.constant 5.000000e-01 : f32
    %mul3A_300 = vector.broadcast %mul3A_299 : f32 to vector<16xf32>
    %mul3A_301 = arith.mulf %convert_element_type3A_298, %mul3A_300 : vector<16xf32>
    %swap3A_302 = arith.constant 0 : i32
    %swap3A_303 = arith.index_cast %swap3A_302 : i32 to index
    %swap3A_304 = arith.constant 80 : index
    %swap3A_305 = tpu.vector_load %arg6[%swap3A_303, %swap3A_304] {strides = array<i32>} : memref<1x128xf32, #tpu.memory_space<vmem>>, vector<1x16xf32>,
    %swap3A_306 = vector.shape_cast %swap3A_305 : vector<1x16xf32> to vector<16xf32>
    %swap3A_307 = vector.shape_cast %mul3A_301 : vector<16xf32> to vector<1x16xf32>
    tpu.vector_store %arg6[%swap3A_303, %swap3A_304], %swap3A_307 {strides = array<i32>} : memref<1x128xf32, #tpu.memory_space<vmem>>, vector<1x16xf32>,
    %get3A_308 = arith.constant 0 : i32
    %get3A_309 = arith.index_cast %get3A_308 : i32 to index
    %get3A_310 = arith.constant 96 : index
    %get3A_311 = tpu.vector_load %arg5[%get3A_309, %get3A_310] {strides = array<i32>} : memref<2x128xf32, #tpu.memory_space<vmem>>, vector<1x16xf32>,
    %get3A_312 = vector.shape_cast %get3A_311 : vector<1x16xf32> to vector<16xf32>
    %get3A_313 = arith.constant 1 : i32
    %get3A_314 = arith.index_cast %get3A_313 : i32 to index
    %get3A_315 = arith.constant 96 : index
    %get3A_316 = tpu.vector_load %arg5[%get3A_314, %get3A_315] {strides = array<i32>} : memref<2x128xf32, #tpu.memory_space<vmem>>, vector<1x16xf32>,
    %get3A_317 = vector.shape_cast %get3A_316 : vector<1x16xf32> to vector<16xf32>
    %gt3A_318 = arith.constant 0.000000e+00 : f32
    %gt3A_319 = vector.broadcast %gt3A_318 : f32 to vector<16xf32>
    %gt3A_320 = arith.cmpf ogt, %get3A_312, %gt3A_319 : vector<16xf32>
    %select_n3A_321 = arith.select %gt3A_320, %broadcast_in_dim3A_40, %broadcast_in_dim3A_38 : vector<16xi1>, vector<16xi32>
    %gt3A_322 = arith.constant 0.000000e+00 : f32
    %gt3A_323 = vector.broadcast %gt3A_322 : f32 to vector<16xf32>
    %gt3A_324 = arith.cmpf ogt, %get3A_317, %gt3A_323 : vector<16xf32>
    %jit3A_325 = arith.constant 0 : i32
    %broadcast_in_dim3A_326 = vector.broadcast %select_n3A : i32 to vector<16xi32>
    %broadcast_in_dim3A_327 = vector.broadcast %jit3A_325 : i32 to vector<16xi32>
    %select_n3A_328 = arith.select %gt3A_324, %broadcast_in_dim3A_326, %broadcast_in_dim3A_327 : vector<16xi1>, vector<16xi32>
    %add3A_329 = arith.addi %scan3A_44#6, %scan3A_44#14 : vector<16xi32>
    %mul3A_330 = arith.constant 2 : i32
    %mul3A_331 = vector.broadcast %mul3A_330 : i32 to vector<16xi32>
    %mul3A_332 = arith.muli %mul3A_331, %select_n3A_321 : vector<16xi32>
    %sub3A_333 = arith.subi %add3A_329, %mul3A_332 : vector<16xi32>
    %sub3A_334 = arith.constant 1 : i32
    %sub3A_335 = vector.broadcast %sub3A_334 : i32 to vector<16xi32>
    %sub3A_336 = arith.subi %sub3A_335, %scan3A_44#14 : vector<16xi32>
    %mul3A_337 = arith.muli %select_n3A_328, %sub3A_336 : vector<16xi32>
    %add3A_338 = arith.addi %sub3A_333, %mul3A_337 : vector<16xi32>
    %convert_element_type3A_339 = arith.sitofp %add3A_338 : vector<16xi32> to vector<16xf32>
    %mul3A_340 = arith.constant 5.000000e-01 : f32
    %mul3A_341 = vector.broadcast %mul3A_340 : f32 to vector<16xf32>
    %mul3A_342 = arith.mulf %convert_element_type3A_339, %mul3A_341 : vector<16xf32>
    %swap3A_343 = arith.constant 0 : i32
    %swap3A_344 = arith.index_cast %swap3A_343 : i32 to index
    %swap3A_345 = arith.constant 96 : index
    %swap3A_346 = tpu.vector_load %arg6[%swap3A_344, %swap3A_345] {strides = array<i32>} : memref<1x128xf32, #tpu.memory_space<vmem>>, vector<1x16xf32>,
    %swap3A_347 = vector.shape_cast %swap3A_346 : vector<1x16xf32> to vector<16xf32>
    %swap3A_348 = vector.shape_cast %mul3A_342 : vector<16xf32> to vector<1x16xf32>
    tpu.vector_store %arg6[%swap3A_344, %swap3A_345], %swap3A_348 {strides = array<i32>} : memref<1x128xf32, #tpu.memory_space<vmem>>, vector<1x16xf32>,
    %get3A_349 = arith.constant 0 : i32
    %get3A_350 = arith.index_cast %get3A_349 : i32 to index
    %get3A_351 = arith.constant 112 : index
    %get3A_352 = tpu.vector_load %arg5[%get3A_350, %get3A_351] {strides = array<i32>} : memref<2x128xf32, #tpu.memory_space<vmem>>, vector<1x16xf32>,
    %get3A_353 = vector.shape_cast %get3A_352 : vector<1x16xf32> to vector<16xf32>
    %get3A_354 = arith.constant 1 : i32
    %get3A_355 = arith.index_cast %get3A_354 : i32 to index
    %get3A_356 = arith.constant 112 : index
    %get3A_357 = tpu.vector_load %arg5[%get3A_355, %get3A_356] {strides = array<i32>} : memref<2x128xf32, #tpu.memory_space<vmem>>, vector<1x16xf32>,
    %get3A_358 = vector.shape_cast %get3A_357 : vector<1x16xf32> to vector<16xf32>
    %gt3A_359 = arith.constant 0.000000e+00 : f32
    %gt3A_360 = vector.broadcast %gt3A_359 : f32 to vector<16xf32>
    %gt3A_361 = arith.cmpf ogt, %get3A_353, %gt3A_360 : vector<16xf32>
    %select_n3A_362 = arith.select %gt3A_361, %broadcast_in_dim3A_40, %broadcast_in_dim3A_38 : vector<16xi1>, vector<16xi32>
    %gt3A_363 = arith.constant 0.000000e+00 : f32
    %gt3A_364 = vector.broadcast %gt3A_363 : f32 to vector<16xf32>
    %gt3A_365 = arith.cmpf ogt, %get3A_358, %gt3A_364 : vector<16xf32>
    %jit3A_366 = arith.constant 0 : i32
    %broadcast_in_dim3A_367 = vector.broadcast %select_n3A : i32 to vector<16xi32>
    %broadcast_in_dim3A_368 = vector.broadcast %jit3A_366 : i32 to vector<16xi32>
    %select_n3A_369 = arith.select %gt3A_365, %broadcast_in_dim3A_367, %broadcast_in_dim3A_368 : vector<16xi1>, vector<16xi32>
    %add3A_370 = arith.addi %scan3A_44#7, %scan3A_44#15 : vector<16xi32>
    %mul3A_371 = arith.constant 2 : i32
    %mul3A_372 = vector.broadcast %mul3A_371 : i32 to vector<16xi32>
    %mul3A_373 = arith.muli %mul3A_372, %select_n3A_362 : vector<16xi32>
    %sub3A_374 = arith.subi %add3A_370, %mul3A_373 : vector<16xi32>
    %sub3A_375 = arith.constant 1 : i32
    %sub3A_376 = vector.broadcast %sub3A_375 : i32 to vector<16xi32>
    %sub3A_377 = arith.subi %sub3A_376, %scan3A_44#15 : vector<16xi32>
    %mul3A_378 = arith.muli %select_n3A_369, %sub3A_377 : vector<16xi32>
    %add3A_379 = arith.addi %sub3A_374, %mul3A_378 : vector<16xi32>
    %convert_element_type3A_380 = arith.sitofp %add3A_379 : vector<16xi32> to vector<16xf32>
    %mul3A_381 = arith.constant 5.000000e-01 : f32
    %mul3A_382 = vector.broadcast %mul3A_381 : f32 to vector<16xf32>
    %mul3A_383 = arith.mulf %convert_element_type3A_380, %mul3A_382 : vector<16xf32>
    %swap3A_384 = arith.constant 0 : i32
    %swap3A_385 = arith.index_cast %swap3A_384 : i32 to index
    %swap3A_386 = arith.constant 112 : index
    %swap3A_387 = tpu.vector_load %arg6[%swap3A_385, %swap3A_386] {strides = array<i32>} : memref<1x128xf32, #tpu.memory_space<vmem>>, vector<1x16xf32>,
    %swap3A_388 = vector.shape_cast %swap3A_387 : vector<1x16xf32> to vector<16xf32>
    %swap3A_389 = vector.shape_cast %mul3A_383 : vector<16xf32> to vector<1x16xf32>
    tpu.vector_store %arg6[%swap3A_385, %swap3A_386], %swap3A_389 {strides = array<i32>} : memref<1x128xf32, #tpu.memory_space<vmem>>, vector<1x16xf32>,
    "tpu.region"() ({
      %run_scoped3A = tpu.sem_alloc : memref<!tpu.dma_semaphore, #tpu.memory_space<semaphore_mem>>
      %dma_start3A_390 = arith.constant 0 : i32
      %dma_start3A_391 = tpu.memref_slice %arg3[%add3A, %dma_start3A_390] : memref<32x128xf32, #tpu.memory_space<hbm>> -> memref<1x128xf32, #tpu.memory_space<hbm>>
      %dma_start3A_392 = arith.constant 0 : i32
      %dma_start3A_393 = tpu.memref_slice %arg3[%add3A, %dma_start3A_392] : memref<32x128xf32, #tpu.memory_space<hbm>> -> memref<1x128xf32, #tpu.memory_space<hbm>>
      tpu.enqueue_dma source(%arg6 : memref<1x128xf32, #tpu.memory_space<vmem>>) target(%dma_start3A_393 : memref<1x128xf32, #tpu.memory_space<hbm>>) target_semaphore(%run_scoped3A : memref<!tpu.dma_semaphore, #tpu.memory_space<semaphore_mem>>)
      %dma_wait3A_394 = arith.constant 0 : i32
      %dma_wait3A_395 = tpu.memref_slice %arg3[%add3A, %dma_wait3A_394] : memref<32x128xf32, #tpu.memory_space<hbm>> -> memref<1x128xf32, #tpu.memory_space<hbm>>
      %dma_wait3A_396 = arith.constant 0 : i32
      %dma_wait3A_397 = tpu.memref_slice %arg3[%add3A, %dma_wait3A_396] : memref<32x128xf32, #tpu.memory_space<hbm>> -> memref<1x128xf32, #tpu.memory_space<hbm>>
      tpu.wait_dma2 semaphore(%run_scoped3A : memref<!tpu.dma_semaphore, #tpu.memory_space<semaphore_mem>>) src(%arg6 : memref<1x128xf32, #tpu.memory_space<vmem>>) dst(%dma_wait3A_397 : memref<1x128xf32, #tpu.memory_space<hbm>>)
      tpu.yield
    }) : () -> ()
    return
  }
}

</mosaic_0001>

<sc_bundles>
// kernel: kernel.3.cloned.1.call-start
scs
__scs_entry_jumppad:
0x0: {  	(pc) =	sbr.rel $0x88, $3  }
0x1: {  	(tag) =	ssettag $0x0;
	lr =	simm.s32 $0x1  }
0x2: {  	[smem:$0x3FA0] =	sst lr;
	_ =	strace $0xD0000000  }
0x3: {  	_ = 	snop  }
0x4: {  	_ = 	snop  }
0x5: {  	_ = 	snop  }
0x6: {  	_ = 	snop  }
0x7: {  	_ = 	snop  }
__scs_overlays_trampoline_lowered:
0x8: {  	[smem:$0x3FAF] =	sst s0  }
0x9: {  	[smem:$0x3FB0] =	sst s1  }
0xa: {  	[smem:$0x3FB1] =	sst s2  }
0xb: {  	[smem:$0x3FB2] =	sst s3  }
0xc: {  	[smem:$0x3FB3] =	sst s4  }
0xd: {  	[smem:$0x3FB4] =	sst s5  }
0xe: {  	[smem:$0x3FB5] =	sst s6  }
0xf: {  	[smem:$0x3FB6] =	sst s7  }
0x10: {  	[smem:$0x3FB7] =	sst s8  }
0x11: {  	[smem:$0x3FB8] =	sst s9;
	s0 =	simm.s32 @!p0 $0x0  }
0x12: {  	s1 =	sld [smem:$0x3F9E];
	s0 =	simm.s32 @p0 $0x1  }
0x13: {  	[smem:$0x3FB9] =	sst s0;
	s0 =	simm.s32 @!p1 $0x0  }
0x14: {  	s2 =	sld [smem:$0x3F9D];
	s0 =	simm.s32 @p1 $0x1  }
0x15: {  	[smem:$0x3FBA] =	sst s0;
	s0 =	simm.s32 @!p2 $0x0  }
0x16: {  	s3 =	sld [smem:$0x3FDB];
	s0 =	simm.s32 @p2 $0x1  }
0x17: {  	s4 =	simm.s32 $0x1BF5;
	[smem:$0x3FBC] =	sst s0  }
0x18: {  	s0 =	sld [smem:$0x3F9F];
	_ =	swait.ge [sflag:s4], $0x0  }
0x19: {  	s7 =	sld [smem:$0x3FA0]  }
0x1a: {  	s8 =	sadd.s32 $0xFFFFE003, lr  }
0x1b: {  	s9 =	sadd.s32 $0xFFFFFEF7, lr;
	s5 =	simm.s32 $0xFFFFFFFF;
	p2 =	slt.u32 s8, $0xFFFFF086  }
0x1c: {  	p1 =	slt.u32 s9, $0xF7A;
	s5 =	simm.s32 @!p2 $0x0  }
0x1d: {  	s5 =	simm.s32 @p1 $0x1;
	p0 =	seq.s32 s7, s2  }
0x1e: {  	s7 =	smul.u32 @!p0 $0xF7A, s2;
	p2 =	seq.s32 @!p0 s5, $0x0  }
0x1f: {  	s9 =	smul.u32 $0xF7A, s1;
	s8 =	simm.s32 @!p0 $0x1BF5;
	p2 =	por !p2, p0  }
0x20: {  	[sflag:s8] =	ssyncset.s32 @!p0 $0xFFFFF086;
	s6 =	sadd.s32 @!p0 s3, s7;
	s7 =	simm.s32 @!p0 $0x108  }
0x21: {  	s3 =	sadd.s32 s3, s9;
	s6 =	sadd.s32 @!p0 $0x88, s6;
	s7 =	simm.s32 @p2 $0x1082  }
0x22: {  	[simem:s7], [sflag:s8] =	dma.local @!p0 [hbm:s6], $0xF7A  }
0x23: {  	s9 =	sor.u32 $0xD0000000, s2;
	s6 =	simm.s32 $0x108;
	_ =	swait.ge @!p0 [sflag:s8], $0x0  }
0x24: {  	s3 =	sadd.s32 $0x88, s3;
	s6 =	simm.s32 @!p1 $0x1082;
	[sflag:s4] =	ssyncset.s32 $0xFFFFF086  }
0x25: {  	[simem:s6], [sflag:s4] =	dma.local [hbm:s3], $0xF7A  }
0x26: {  	[smem:$0x3FA0] =	sst s1;
	(tag) =	ssettag s2;
	_ =	strace s9  }
0x27: {  	s1 =	sld [smem:$0x3FB0]  }
0x28: {  	s2 =	sld [smem:$0x3FB1]  }
0x29: {  	s4 =	sld [smem:$0x3FB3]  }
0x2a: {  	p0 =	seq.s32 s5, $0x0;
	s5 =	sld [smem:$0x3FB4]  }
0x2b: {  	s6 =	sld [smem:$0x3FB5]  }
0x2c: {  	s7 =	sld [smem:$0x3FB6]  }
0x2d: {  	s3 =	simm.s32 $0x108;
	s8 =	sld [smem:$0x3FB7]  }
0x2e: {  	s3 =	simm.s32 @!p0 $0x1082;
	s9 =	sld [smem:$0x3FB8]  }
0x2f: {  	lr =	sadd.s32 s0, s3;
	s0 =	sld [smem:$0x3FAF]  }
0x30: {  	s3 =	sld [smem:$0x3FB2]  }
0x31: {  	[smem:$0x3FBB] =	sst s10  }
0x32: {  	s10 =	sld [smem:$0x3FB9];
	_ =	sdelay $0x3  }
0x33: {  	p0 =	seq.s32 s10, $0x1;
	s10 =	sld [smem:$0x3FBB];
	_ =	sdelay $0x3  }
0x34: {  	[smem:$0x3FBB] =	sst s10  }
0x35: {  	s10 =	sld [smem:$0x3FBA];
	_ =	sdelay $0x3  }
0x36: {  	p1 =	seq.s32 s10, $0x1;
	s10 =	sld [smem:$0x3FBB];
	_ =	sdelay $0x3  }
0x37: {  	[smem:$0x3FBB] =	sst s10  }
0x38: {  	s10 =	sld [smem:$0x3FBC]  }
0x39: {  	_ = 	snop;
	(pc) =	sbr.ind lr, $3  }
0x3a: {  	_ = 	snop  }
0x3b: {  	_ = 	snop  }
0x3c: {  	p2 =	seq.s32 s10, $0x1;
	s10 =	sld [smem:$0x3FBB]  }
0x3d: {  	_ =	shalt  }
0x3e: {  	_ =	shalt  }
0x3f: {  	_ =	shalt  }
0x40: {  	_ =	shalt  }
0x41: {  	_ =	shalt  }
0x42: {  	_ =	shalt  }
0x43: {  	_ =	shalt  }
0x44: {  	_ =	shalt  }
0x45: {  	_ =	shalt  }
0x46: {  	_ =	shalt  }
0x47: {  	_ =	shalt  }
0x48: {  	_ =	shalt  }
0x49: {  	_ =	shalt  }
0x4a: {  	_ =	shalt  }
0x4b: {  	_ =	shalt  }
0x4c: {  	_ =	shalt  }
0x4d: {  	_ =	shalt  }
0x4e: {  	_ =	shalt  }
0x4f: {  	_ =	shalt  }
0x50: {  	_ =	shalt  }
0x51: {  	_ =	shalt  }
0x52: {  	_ =	shalt  }
0x53: {  	_ =	shalt  }
0x54: {  	_ =	shalt  }
0x55: {  	_ =	shalt  }
0x56: {  	_ =	shalt  }
0x57: {  	_ =	shalt  }
0x58: {  	_ =	shalt  }
0x59: {  	_ =	shalt  }
0x5a: {  	_ =	shalt  }
0x5b: {  	_ =	shalt  }
0x5c: {  	_ =	shalt  }
0x5d: {  	_ =	shalt  }
0x5e: {  	_ =	shalt  }
0x5f: {  	_ =	shalt  }
0x60: {  	_ =	shalt  }
0x61: {  	_ =	shalt  }
0x62: {  	_ =	shalt  }
0x63: {  	_ =	shalt  }
0x64: {  	_ =	shalt  }
0x65: {  	_ =	shalt  }
0x66: {  	_ =	shalt  }
0x67: {  	_ =	shalt  }
0x68: {  	_ =	shalt  }
0x69: {  	_ =	shalt  }
0x6a: {  	_ =	shalt  }
0x6b: {  	_ =	shalt  }
0x6c: {  	_ =	shalt  }
0x6d: {  	_ =	shalt  }
0x6e: {  	_ =	shalt  }
0x6f: {  	_ =	shalt  }
0x70: {  	_ =	shalt  }
0x71: {  	_ =	shalt  }
0x72: {  	_ =	shalt  }
0x73: {  	_ =	shalt  }
0x74: {  	_ =	shalt  }
0x75: {  	_ =	shalt  }
0x76: {  	_ =	shalt  }
0x77: {  	_ =	shalt  }
0x78: {  	_ =	shalt  }
0x79: {  	_ =	shalt  }
0x7a: {  	_ =	shalt  }
0x7b: {  	_ =	shalt  }
0x7c: {  	_ =	shalt  }
0x7d: {  	_ =	shalt  }
0x7e: {  	_ =	shalt  }
0x7f: {  	_ =	shalt  }
0x80: {  	_ =	shalt  }
0x81: {  	_ =	shalt  }
0x82: {  	_ =	shalt  }
0x83: {  	_ =	shalt  }
0x84: {  	_ =	shalt  }
0x85: {  	_ =	shalt  }
0x86: {  	_ =	shalt  }
0x87: {  	_ =	shalt  }
.Lfunc_end0:
.L_simem_size_0:
called_computation_lowered:
.L_overlay_start_0:
0x88: {  	s2 =	sld [smem:$0x3FD9]  }
0x89: {  	s3 =	sld [smem:$0x3FFE];
	_ =	sdelay $0x1  }
0x8a: {  	s1 =	srdreg.scid  }
0x8b: {  	s0 =	sand.u32 $0x1, s1  }
0x8c: {  	s17 =	sshll.u32 s0, $0xA;
	s2 =	sadd.s32 s3, s2  }
0x8d: {  	s2 =	sadd.s32 s2, s17  }
0x8e: {  	[smem:$0x3FC7] =	sst s2  }
0x8f: {  	_ = 	snop  }
0x90: {  	s2 =	sld [smem:$0x3FC9];
	(tm) =	ssettm $0x1  }
0x91: {  	s18 =	sld [smem:$0x3FFB];
	_ =	sdelay $0x3  }
0x92: {  	_ =	strace s18  }
0x93: {  	s3 =	sld [smem:$0x3FFC];
	_ =	sdelay $0x3  }
0x94: {  	_ =	strace s3  }
0x95: {  	s3 =	sld [smem:$0x3FFD];
	_ =	sdelay $0x3  }
0x96: {  	_ =	strace s3  }
0x97: {  	_ =	strace $0x8FFFFFFF  }
0x98: {  	s19 =	sld [smem:$0x3FDB];
	_ =	sdelay $0x1  }
0x99: {  	s4 =	simm.s32 $_scs_section_size  }
0x9a: {  	s5 =	simm.s32 $_size__tile_overlayer_lowered;
	s6 =	simm.s32 $_tile_overlayer_lowered  }
0x9b: {  	s22 =	simm.s32 $0x1BFF;
	s21 =	sshll.u32 s6, $0x1;
	s3 =	sadd.s32 s4, s19  }
0x9c: {  	s7 =	simm.s32 $0x0;
	s20 =	sshll.u32 s5, $0x1;
	s5 =	sadd.s32 s21, s3  }
0x9d: {  	[timem:s7], [sflag:s22] =	dma.local [hbm:s5], s20  }
0x9e: {  	_ =	swait.ge [sflag:s22], s20  }
0x9f: {  	s4 =	ssub.s32 $0x0, s20;
	[sflag:s22] =	ssyncset.done $0x0  }
0xa0: {  	[sflag:s22] =	ssyncadd.s32 s4;
	_ =	sdelay $0x1  }
0xa1: {  	s23 =	simm.s32 $0x1B8B  }
0xa2: {  	_ =	swait.ge [sflag:s23], $0x1  }
0xa3: {  	[sflag:s23] =	ssyncset.done $0x0  }
0xa4: {  	s25 =	simm.s32 $0x1B8E;
	s24 =	sld [smem:$0x3FFE];
	[sflag:s23] =	ssyncadd.s32 $0xFFFFFFFF  }
0xa5: {  	s26 =	simm.s32 $execute0_lowered;
	[smem:$0x3FD2] =	sst s25  }
0xa6: {  	s5 =	sshll.u32 s26, $0x1;
	_ =	strace $0x80000046;
	[dreg:$0x1] =	wrdreg $0xFFFFFFFF  }
0xa7: {  	s28 =	simm.s32 $_size_execute0_lowered;
	s3 =	sadd.s32 s3, s5;
	[dreg:$0x0] =	wrdreg $0x0  }
0xa8: {  	s5 =	sshll.u32 s28, $0x1;
	[dreg:$0x2] =	wrdreg s3  }
0xa9: {  	[dreg:$0x3] =	wrdreg s5  }
0xaa: {  	[dreg:$0x4] =	wrdreg $0xC0  }
0xab: {  	_ =	task [dreg:s7], $0x5FFFF  }
0xac: {  	[dreg:$0x1] =	wrdreg $0xFFFFFFFF  }
0xad: {  	[dreg:$0x0] =	wrdreg $0x60  }
0xae: {  	[dreg:$0x2] =	wrdreg s2  }
0xaf: {  	[dreg:$0x3] =	wrdreg s24  }
0xb0: {  	[dreg:$0x4] =	wrdreg $0x9  }
0xb1: {  	_ =	task.clear_ibuf [dreg:s7], $0x5FFFF;
	_ =	strace $0x90000046  }
0xb2: {  	s29 =	simm.s32 $0x9;
	_ =	strace $0x80000048  }
0xb3: {  	_ =	swait.ge [sflag:s29], $0x1  }
0xb4: {  	[sflag:s29] =	ssyncadd.s32 $0xFFFFFFFF  }
0xb5: {  	_ =	strace $0x90000048  }
0xb6: {  	_ =	sfence  }
0xb7: {  	s30 =	sld [smem:$0x0];
	_ =	sdelay $0x2  }
0xb8: {  	s31 =	sshll.u32 s1, $0xD;
	s1 =	sshrl.u32 s1, $0x2  }
0xb9: {  	s3 =	sand.u32 $0x4000, s31;
	s1 =	sadd.s32 s1, s30  }
0xba: {  	s0 =	sor.u32 s3, s0;
	s1 =	sshll.u32 s1, $0x11  }
0xbb: {  	s0 =	sor.u32 s1, s0  }
0xbc: {  	s0 =	sadd.s32 $0x8F2B, s0  }
0xbd: {  	[sflag:s0] =	ssyncadd.remote.s32 $0x1  }
0xbe: {  	_ =	sfence.sel $0xFFFF  }
0xbf: {  	[dreg:$0x0] =	wrdreg $0xFFFFFFFF;
	(pc) =	sbr.abs _section_cstart, $3  }
0xc0: {  	[dreg:$0x1] =	wrdreg $0xFFFFFFFF  }
0xc1: {  	_ =	task.clear_ibuf [dreg:s7], $0x2FFFF;
	_ =	strace $0x9FFFFFFF  }
0xc2: {  	(tm) =	ssettm $0x7FFFFFFF  }
0xc3: {  	_ =	shalt  }
tec
execute0_lowered:
.L_overlay_start_1:
0x0: {  	(tag) =	ssettag $0x1  }
0x1: {  	s1 =	srdreg.scid  }
0x2: {  	s0 =	stileid.u32;
	s3 =	rddreg [dreg:$0x0]  }
0x3: {  	s6 =	rddreg [dreg:$0x1];
	s2 =	simm.s32 $0x0;
	s16 =	simm.s32 $0x0  }
0x4: {  	s11 =	simm.s32 $0x1;
	s12 =	simm.s32 $0x8000;
	s13 =	simm.s32 $0x2  }
0x5: {  	s14 =	simm.s32 $0x3;
	s15 =	simm.s32 $0x4;
	s17 =	simm.s32 $0x5  }
0x6: {  	s4 =	sand.u32 $0x1, s1;
	s30 =	sshll.u32 s0, $0x1;
	s1 =	rddreg [dreg:$0x2]  }
0x7: {  	s18 =	simm.s32 $0x0;
	[smem:$0x7FF] =	sst s2;
	s5 =	sor.u32 s4, s30  }
0x8: {  	_ =	strace $0x80000047;
	s4 =	ssub.s32 $0x2, s4;
	s7 =	sshll.u32 s5, $0xD  }
0x9: {  	s8 =	sshrl.u32 s4, $0x1;
	s10 =	sshll.u32 s5, $0x11;
	p0 =	seq.s32 s5, $0x1F  }
0xa: {  	s31 =	sshll.u32 s5, $0x4;
	s7 =	smin.u32 s7, $0x3DFFF;
	s8 =	ssub.s32 s4, s8  }
0xb: {  	s16 =	simm.s32 @!p0 $0x2;
	s6 =	sadd.s32 s6, s31;
	s7 =	sshll.u32 s7, $0x4  }
0xc: {  	v0 =	vmov s16;
	s16 =	simm.s32 $0x10100;
	s9 =	sadd.s32 $0x20000, s7;
	s7 =	sand.u32 $0x70, s7  }
0xd: {  	s9 =	sand.u32 $0x7FFF80, s9;
	s7 =	sadd.s32 s3, s7;
	s3 =	sadd.s32 s3, s10  }
0xe: {  	s10 =	simm.s32 $0x10080;
	s4 =	sadd.s32 s9, s7;
	s5 =	sadd.s32 $0x2000, s3  }
0xf: {  	v1 =	vimm.s32 $0x0;
	s7 =	smax.u32 s8, $0x1;
	s8 =	sadd.s32 $0x1000, s3;
	s9 =	simm.s32 $0x10000  }
.LBB2_1:
0x10: {  	v9 =	vimm.s32 $0x0  }
0x11: {  	[tilespmem:s9], [sflag:$0x3] =	stream.linear.gather [hbm4b:s3+s2], $0x80, $0x38;
	v5 =	vimm.s32 $0x0;
	v11 =	vimm.s32 $0x0;
	v2 =	vimm.s32 $0x0;
	[tilespmem:$0x10180] =	vst v63  }
0x12: {  	v7 =	vimm.s32 $0x0;
	v6 =	vimm.s32 $0x0;
	v4 =	vimm.s32 $0x0  }
0x13: {  	v16 =	vimm.s32 $0x0;
	v23 =	vimm.s32 $0x0;
	v21 =	vimm.s32 $0x0;
	[tilespmem:s10], [sflag:$0x4] =	stream.linear.gather [hbm4b:s4+s2], $0x80, $0x38;
	[tilespmem:$0x10180] =	vst v63  }
0x14: {  	v25 =	vimm.s32 $0x0;
	v10 =	vimm.s32 $0x0;
	v26 =	vimm.s32 $0x0;
	s19 =	simm.s32 $0x0  }
0x15: {  	v12 =	vimm.s32 $0x0;
	v30 =	vimm.s32 $0x0;
	v22 =	vimm.s32 $0x0;
	[tilespmem:s2], [sflag:$0x1] =	stream.linear.gather [hbm4b:s3+s2], $0x8000, $0x38;
	[tilespmem:$0x10180] =	vst v63  }
.LBB2_2:
0x16: {  	_ =	swait.ge [sflag:s11], $0x8000  }
0x17: {  	s20 =	sshll.u32 s19, $0xD;
	[sflag:s11] =	ssyncset.done $0x0  }
0x18: {  	s21 =	sadd.s32 s8, s20;
	[sflag:s11] =	ssyncadd.s32 $0xFFFF8000  }
0x19: {  	[tilespmem:s12], [sflag:$0x2] =	stream.linear.gather [hbm4b:s21+s2], $0x8000, $0x38;
	[tilespmem:$0x10180] =	vst v63  }
0x1a: {  	s21 =	simm.s32 $0x100  }
0x1b: {  	v3 =	vld [tilespmem:s21+$0x90]  }
0x1c: {  	v8 =	vld [tilespmem:s21+$0x40]  }
0x1d: {  	v13 =	vld [tilespmem:s21+$0xC0]  }
0x1e: {  	v14 =	vld [tilespmem:s21+$0x80]  }
0x1f: {  	v15 =	vld [tilespmem:s21+$0xE0]  }
0x20: {  	v17 =	vld [tilespmem:s21+$0x60]  }
0x21: {  	v18 =	vld [tilespmem:s21+$0x0]  }
0x22: {  	v19 =	vld [tilespmem:s21+$0xFFFFFF80]  }
0x23: {  	v20 =	vld [tilespmem:s21+$0xFFFFFF00]  }
0x24: {  	v24 =	vld [tilespmem:s21+$0x50]  }
0x25: {  	v27 =	vld [tilespmem:s21+$0xFFFFFFD0];
	vm0 =	vgt.f32 v3, $0.0e+00;
	vm1 =	vgt.f32 v8, $0.0e+00;
	vm2 =	vgt.f32 v13, $0.0e+00  }
0x26: {  	v28 =	vld [tilespmem:s21+$0xFFFFFFE0];
	vm3 =	vgt.f32 v14, $0.0e+00;
	v8 =	vsel vm0, $0x1, v1;
	vm0 =	vgt.f32 v15, $0.0e+00  }
0x27: {  	v32 =	vld [tilespmem:s21+$0x70];
	v15 =	vsel vm1, $0x1, v1;
	vm1 =	vgt.f32 v17, $0.0e+00;
	v3 =	vsel vm2, $0x1, v1  }
0x28: {  	v34 =	vld [tilespmem:s21+$0xFFFFFFF0];
	vm2 =	vgt.f32 v18, $0.0e+00;
	v17 =	vsel vm3, $0x1, v1;
	vm3 =	vgt.f32 v19, $0.0e+00  }
0x29: {  	v13 =	vxor.u32 v15, v3;
	v18 =	vsel vm2, $0x1, v1;
	v14 =	vsel vm0, $0x1, v1  }
0x2a: {  	vm0 =	vgt.f32 v20, $0.0e+00;
	v29 =	vsel vm3, $0x1, v1;
	v31 =	vsel vm1, $0x1, v1  }
0x2b: {  	v19 =	vld [tilespmem:s21+$0xF0];
	vm1 =	vgt.f32 v27, $0.0e+00;
	vm2 =	vgt.f32 v28, $0.0e+00;
	v33 =	vsel vm0, $0x1, v1  }
0x2c: {  	v59 =	vld [tilespmem:s21+$0xFFFFFFB0];
	vm0 =	vgt.f32 v24, $0.0e+00;
	v20 =	vxor.u32 v18, v17;
	v39 =	vsel vm1, $0x1, v1  }
0x2d: {  	v35 =	vld [tilespmem:s21+$0xFFFFFF70];
	vm1 =	vgt.f32 v32, $0.0e+00;
	v28 =	vsel vm2, $0x1, v1;
	vm2 =	vgt.f32 v34, $0.0e+00  }
0x2e: {  	v27 =	vld [tilespmem:s21+$0xD0];
	v24 =	vxor.u32 v33, v16;
	v16 =	vxor.u32 v31, v14;
	v36 =	vsel vm0, $0x1, v1  }
0x2f: {  	v37 =	vld [tilespmem:s21+$0xFFFFFF60];
	v62 =	vsel vm2, $0x1, v1;
	v22 =	vadd.s32 v22, v24;
	v24 =	vxor.u32 v33, v29  }
0x30: {  	v24 =	vadd.s32 v24, v22;
	vm0 =	vgt.f32 v19, $0.0e+00;
	v19 =	vxor.u32 v29, v18;
	v29 =	vld [tilespmem:s21+$0xFFFFFF50]  }
0x31: {  	v60 =	vld [tilespmem:s21+$0xFFFFFF30];
	v22 =	vxor.u32 v28, v31;
	v31 =	vsel vm1, $0x1, v1;
	vm1 =	vgt.f32 v59, $0.0e+00  }
0x32: {  	v18 =	vsel vm0, $0x1, v1;
	vm0 =	vgt.f32 v35, $0.0e+00;
	v24 =	vadd.s32 v19, v24  }
0x33: {  	v61 =	vsel vm0, $0x1, v1;
	vm0 =	vgt.f32 v27, $0.0e+00;
	v27 =	vxor.u32 v39, v36  }
0x34: {  	v38 =	vld [tilespmem:s21+$0xFFFFFF10];
	v19 =	vsel vm0, $0x1, v1;
	vm0 =	vgt.f32 v37, $0.0e+00;
	v63 =	vxor.u32 v61, v9  }
0x35: {  	v42 =	vld [tilespmem:s21+$0xB0];
	v9 =	vxor.u32 v31, v18;
	v32 =	vsel vm0, $0x1, v1;
	vm2 =	vgt.f32 v29, $0.0e+00  }
0x36: {  	v41 =	vld [tilespmem:s21+$0xFFFFFF40];
	vm0 =	vgt.f32 v60, $0.0e+00;
	v44 =	vxor.u32 v32, v5;
	v43 =	vsel vm2, $0x1, v1  }
0x37: {  	v45 =	vld [tilespmem:s21+$0xFFFFFF90];
	v29 =	vxor.u32 v61, v62;
	v5 =	vxor.u32 v43, v11;
	v11 =	vadd.s32 v23, v63  }
0x38: {  	v40 =	vld [tilespmem:s21+$0xA0];
	v23 =	vadd.s32 v25, v5;
	v5 =	vsel vm1, $0x1, v1;
	v11 =	vadd.s32 v29, v11  }
0x39: {  	v34 =	vld [tilespmem:s21+$0xFFFFFF20];
	vm1 =	vgt.f32 v38, $0.0e+00;
	v25 =	vsel vm0, $0x1, v1;
	v29 =	vxor.u32 v62, v31  }
0x3a: {  	v35 =	vld [tilespmem:s21+$0x30];
	vm0 =	vgt.f32 v42, $0.0e+00;
	v7 =	vxor.u32 v25, v7;
	v11 =	vadd.s32 v29, v11  }
0x3b: {  	v37 =	vld [tilespmem:s21+$0xFFFFFFC0];
	v29 =	vxor.u32 v36, v19;
	v33 =	vsel vm1, $0x1, v1;
	v25 =	vxor.u32 v25, v5  }
0x3c: {  	v38 =	vld [tilespmem:s21+$0xFFFFFFA0];
	vm1 =	vgt.f32 v41, $0.0e+00;
	v4 =	vxor.u32 v33, v4;
	v7 =	vadd.s32 v26, v7  }
0x3d: {  	v36 =	vld [tilespmem:s21+$0x20];
	v31 =	vadd.s32 v30, v4;
	v30 =	vadd.s32 v25, v7;
	v7 =	vsel vm0, $0x1, v1  }
0x3e: {  	s22 =	simm.s32 $0x0;
	v25 =	vadd.s32 v21, v44;
	vm0 =	vgt.f32 v45, $0.0e+00;
	v21 =	vxor.u32 v43, v39;
	v39 =	vld [tilespmem:s21+$0x10]  }
.LBB2_3:
0x3f: {  	s22 =	sadd.s32 $0x4, s22;
	vm2 =	vgt.f32 v34, $0.0e+00;
	v34 =	vsel vm1, $0x1, v1;
	vm1 =	vgt.f32 v40, $0.0e+00;
	s21 =	sadd.s32 $0x200, s21;
	v4 =	vmovc v8;
	v40 =	vmovc v17  }
0x40: {  	v41 =	vadd.s32 v21, v23;
	vm3 =	vgt.f32 v35, $0.0e+00;
	v21 =	vmovc v14;
	v17 =	vld [tilespmem:s21+$0x90];
	p0 =	slt.u32 s22, $0xFC;
	v42 =	vxor.u32 v34, v2;
	v2 =	vmovc v3  }
0x41: {  	v14 =	vxor.u32 v32, v28;
	v26 =	vmovc v18;
	v23 =	vmovc v19;
	v28 =	vsel vm3, $0x1, v1;
	v3 =	vld [tilespmem:s21+$0x40];
	v10 =	vadd.s32 v10, v42  }
0x42: {  	v19 =	vsel vm2, $0x1, v1;
	vm2 =	vgt.f32 v37, $0.0e+00;
	v32 =	vsel vm1, $0x1, v1;
	v18 =	vld [tilespmem:s21+$0xC0]  }
0x43: {  	v35 =	vxor.u32 v19, v6;
	vm1 =	vgt.f32 v38, $0.0e+00;
	v6 =	vmovc v32;
	vm3 =	vgt.f32 v39, $0.0e+00  }
0x44: {  	v14 =	vadd.s32 v14, v25;
	v12 =	vadd.s32 v12, v35;
	v35 =	vsel vm0, $0x1, v1  }
0x45: {  	v37 =	vsel vm2, $0x1, v1;
	vm0 =	vgt.f32 v36, $0.0e+00;
	v25 =	vsel vm3, $0x1, v1  }
0x46: {  	v27 =	vadd.s32 v27, v41;
	v33 =	vxor.u32 v33, v35;
	v35 =	vxor.u32 v35, v25  }
0x47: {  	v24 =	vadd.s32 v20, v24;
	v34 =	vxor.u32 v34, v37;
	v8 =	vxor.u32 v25, v8  }
0x48: {  	v14 =	vadd.s32 v22, v14;
	v20 =	vadd.s32 v33, v31;
	v31 =	vsel vm1, $0x1, v1  }
0x49: {  	v19 =	vxor.u32 v19, v31;
	v25 =	vadd.s32 v16, v14;
	v20 =	vadd.s32 v35, v20  }
0x4a: {  	v10 =	vadd.s32 v34, v10;
	v14 =	vxor.u32 v28, v7;
	v12 =	vadd.s32 v19, v12  }
0x4b: {  	v5 =	vxor.u32 v5, v28;
	v29 =	vadd.s32 v29, v27;
	v16 =	vsel vm0, $0x1, v1  }
0x4c: {  	v11 =	vadd.s32 v9, v11;
	v5 =	vadd.s32 v5, v30;
	v19 =	vxor.u32 v16, v32  }
0x4d: {  	v15 =	vxor.u32 v37, v15;
	v9 =	vxor.u32 v31, v16;
	v31 =	vadd.s32 v14, v5  }
0x4e: {  	v5 =	vadd.s32 v9, v12;
	v9 =	vadd.s32 v15, v10;
	v30 =	vadd.s32 v8, v20  }
0x4f: {  	vm0 =	vgt.f32 v17, $0.0e+00;
	v12 =	vadd.s32 v19, v5;
	v10 =	vadd.s32 v13, v9  }
0x50: {  	vm1 =	vgt.f32 v3, $0.0e+00;
	vm2 =	vgt.f32 v18, $0.0e+00;
	v3 =	vld [tilespmem:s21+$0x80]  }
0x51: {  	v5 =	vld [tilespmem:s21+$0xE0]  }
0x52: {  	v9 =	vld [tilespmem:s21+$0x60]  }
0x53: {  	v13 =	vld [tilespmem:s21+$0x0]  }
0x54: {  	v14 =	vld [tilespmem:s21+$0xFFFFFF80]  }
0x55: {  	v16 =	vld [tilespmem:s21+$0xFFFFFF00];
	vm3 =	vgt.f32 v3, $0.0e+00  }
0x56: {  	v8 =	vsel vm0, $0x1, v1;
	v18 =	vld [tilespmem:s21+$0x50];
	vm0 =	vgt.f32 v5, $0.0e+00  }
0x57: {  	v15 =	vsel vm1, $0x1, v1;
	v3 =	vsel vm2, $0x1, v1;
	v5 =	vld [tilespmem:s21+$0xFFFFFFD0];
	vm1 =	vgt.f32 v9, $0.0e+00  }
0x58: {  	v17 =	vsel vm3, $0x1, v1;
	v9 =	vld [tilespmem:s21+$0xFFFFFFE0];
	vm2 =	vgt.f32 v13, $0.0e+00;
	v13 =	vxor.u32 v15, v3  }
0x59: {  	vm3 =	vgt.f32 v14, $0.0e+00;
	v19 =	vsel vm2, $0x1, v1;
	v14 =	vsel vm0, $0x1, v1;
	v22 =	vld [tilespmem:s21+$0xF0]  }
0x5a: {  	v32 =	vsel vm1, $0x1, v1;
	vm0 =	vgt.f32 v16, $0.0e+00;
	v27 =	vsel vm3, $0x1, v1;
	v28 =	vld [tilespmem:s21+$0x70]  }
0x5b: {  	v20 =	vxor.u32 v19, v17;
	v33 =	vsel vm0, $0x1, v1;
	v34 =	vld [tilespmem:s21+$0xFFFFFFF0];
	vm0 =	vgt.f32 v18, $0.0e+00  }
0x5c: {  	v16 =	vxor.u32 v32, v14;
	v18 =	vxor.u32 v33, v40;
	v35 =	vld [tilespmem:s21+$0xFFFFFF70];
	vm1 =	vgt.f32 v5, $0.0e+00  }
0x5d: {  	v5 =	vadd.s32 v24, v18;
	v18 =	vxor.u32 v33, v27;
	vm2 =	vgt.f32 v9, $0.0e+00;
	v9 =	vld [tilespmem:s21+$0xD0]  }
0x5e: {  	v36 =	vsel vm0, $0x1, v1;
	v5 =	vadd.s32 v18, v5;
	v33 =	vld [tilespmem:s21+$0xFFFFFFB0];
	vm0 =	vgt.f32 v22, $0.0e+00  }
0x5f: {  	v19 =	vxor.u32 v27, v19;
	v39 =	vsel vm1, $0x1, v1;
	v37 =	vld [tilespmem:s21+$0xFFFFFF60];
	vm1 =	vgt.f32 v28, $0.0e+00  }
0x60: {  	v28 =	vsel vm2, $0x1, v1;
	v18 =	vsel vm0, $0x1, v1;
	v38 =	vld [tilespmem:s21+$0xFFFFFF50];
	vm2 =	vgt.f32 v34, $0.0e+00  }
0x61: {  	v22 =	vxor.u32 v28, v32;
	v40 =	vsel vm1, $0x1, v1;
	v41 =	vld [tilespmem:s21+$0xFFFFFF40];
	vm0 =	vgt.f32 v35, $0.0e+00  }
0x62: {  	v24 =	vadd.s32 v19, v5;
	v42 =	vld [tilespmem:s21+$0xFFFFFF30];
	v35 =	vsel vm0, $0x1, v1;
	vm0 =	vgt.f32 v9, $0.0e+00  }
0x63: {  	v34 =	vld [tilespmem:s21+$0xFFFFFF20];
	vm1 =	vgt.f32 v33, $0.0e+00;
	v33 =	vsel vm2, $0x1, v1;
	v19 =	vsel vm0, $0x1, v1  }
0x64: {  	v27 =	vxor.u32 v39, v36;
	v5 =	vxor.u32 v35, v26;
	v43 =	vld [tilespmem:s21+$0xFFFFFF10];
	vm0 =	vgt.f32 v37, $0.0e+00  }
0x65: {  	v9 =	vxor.u32 v40, v18;
	vm2 =	vgt.f32 v38, $0.0e+00;
	v32 =	vsel vm0, $0x1, v1;
	v26 =	vld [tilespmem:s21+$0xB0]  }
0x66: {  	v37 =	vxor.u32 v35, v33;
	v44 =	vsel vm2, $0x1, v1;
	v21 =	vxor.u32 v32, v21;
	v35 =	vld [tilespmem:s21+$0x30]  }
0x67: {  	v11 =	vadd.s32 v11, v5;
	vm0 =	vgt.f32 v42, $0.0e+00;
	v23 =	vxor.u32 v44, v23;
	v42 =	vld [tilespmem:s21+$0xFFFFFF90]  }
0x68: {  	v5 =	vsel vm1, $0x1, v1;
	v11 =	vadd.s32 v37, v11;
	v23 =	vadd.s32 v29, v23  }
0x69: {  	v37 =	vsel vm0, $0x1, v1;
	v29 =	vxor.u32 v33, v40;
	vm1 =	vgt.f32 v43, $0.0e+00  }
.Ltmp0:
0x6a: {  	v7 =	vxor.u32 v37, v7;
	v11 =	vadd.s32 v29, v11;
	v29 =	vxor.u32 v36, v19;
	v40 =	vld [tilespmem:s21+$0xA0];
	(pc) =	sbr.rel @p0 .LBB2_3-.Ltmp0, $4  }
0x6b: {  	v36 =	vxor.u32 v37, v5;
	v33 =	vsel vm1, $0x1, v1;
	vm0 =	vgt.f32 v26, $0.0e+00;
	v37 =	vld [tilespmem:s21+$0xFFFFFFC0]  }
0x6c: {  	v7 =	vadd.s32 v31, v7;
	vm1 =	vgt.f32 v41, $0.0e+00;
	v4 =	vxor.u32 v33, v4;
	v38 =	vld [tilespmem:s21+$0xFFFFFFA0]  }
0x6d: {  	v31 =	vadd.s32 v30, v4;
	v30 =	vadd.s32 v36, v7;
	v7 =	vsel vm0, $0x1, v1;
	v36 =	vld [tilespmem:s21+$0x20]  }
0x6e: {  	v25 =	vadd.s32 v25, v21;
	v21 =	vxor.u32 v44, v39;
	vm0 =	vgt.f32 v42, $0.0e+00;
	v39 =	vld [tilespmem:s21+$0x10]  }
0x6f: {  	vm2 =	vgt.f32 v34, $0.0e+00  }
0x70: {  	v4 =	vsel vm1, $0x1, v1;
	vm12 =	vgt.f32 v40, $0.0e+00;
	v21 =	vadd.s32 v21, v23  }
0x71: {  	vm3 =	vgt.f32 v35, $0.0e+00;
	v23 =	vxor.u32 v32, v28;
	_ =	swait.ge [sflag:s13], $0x8000;
	v2 =	vxor.u32 v4, v2  }
0x72: {  	p0 =	seq.s32 s19, $0xF;
	v26 =	vsel vm3, $0x1, v1;
	v28 =	vsel vm2, $0x1, v1;
	vm13 =	vgt.f32 v37, $0.0e+00;
	[sflag:s13] =	ssyncset.done $0x0  }
0x73: {  	v23 =	vadd.s32 v23, v25;
	s20 =	sadd.s32 @!p0 s20, s5;
	s21 =	simm.s32 @!p0 $0x0;
	v21 =	vadd.s32 v27, v21;
	v2 =	vadd.s32 v10, v2;
	[sflag:s13] =	ssyncadd.s32 $0xFFFF8000  }
0x74: {  	v10 =	vsel vm12, $0x1, v1;
	v6 =	vxor.u32 v28, v6;
	vm14 =	vgt.f32 v38, $0.0e+00;
	[tilespmem:s21], [sflag:$0x1] =	stream.linear.gather @!p0 [hbm4b:s20+s21], $0x8000, $0x38;
	[tilespmem:$0x10180] =	vst v63  }
0x75: {  	v25 =	vsel vm13, $0x1, v1;
	v22 =	vadd.s32 v22, v23;
	v5 =	vxor.u32 v5, v26;
	s20 =	simm.s32 $0x8000  }
0x76: {  	v6 =	vadd.s32 v12, v6;
	v12 =	vsel vm0, $0x1, v1;
	v4 =	vxor.u32 v4, v25;
	v51 =	vld [tilespmem:s20+$0x190]  }
0x77: {  	vm12 =	vgt.f32 v36, $0.0e+00;
	v52 =	vadd.s32 v16, v22;
	v2 =	vadd.s32 v4, v2;
	v4 =	vld [tilespmem:s20+$0x1C0]  }
0x78: {  	v16 =	vxor.u32 v26, v7;
	v26 =	vadd.s32 v29, v21;
	v29 =	vadd.s32 v9, v11;
	v62 =	vld [tilespmem:s20+$0x40]  }
0x79: {  	v11 =	vxor.u32 v25, v15;
	vm15 =	vgt.f32 v39, $0.0e+00;
	v33 =	vxor.u32 v33, v12;
	v44 =	vld [tilespmem:s20+$0x90]  }
0x7a: {  	v27 =	vadd.s32 v33, v31;
	v31 =	vsel vm14, $0x1, v1;
	v2 =	vadd.s32 v11, v2;
	v11 =	vld [tilespmem:s20+$0x0]  }
0x7b: {  	v22 =	vsel vm12, $0x1, v1;
	v50 =	vsel vm15, $0x1, v1;
	v23 =	vxor.u32 v28, v31;
	v28 =	vld [tilespmem:s20+$0x1E0]  }
0x7c: {  	v21 =	vxor.u32 v22, v10;
	v12 =	vxor.u32 v12, v50;
	v9 =	vxor.u32 v31, v22;
	v22 =	vld [tilespmem:s20+$0x160]  }
0x7d: {  	v12 =	vadd.s32 v12, v27;
	v27 =	vld [tilespmem:s20+$0x140]  }
0x7e: {  	v24 =	vadd.s32 v20, v24;
	v5 =	vadd.s32 v5, v30;
	v6 =	vadd.s32 v23, v6;
	v23 =	vld [tilespmem:s20+$0x180]  }
0x7f: {  	v30 =	vadd.s32 v16, v5;
	v20 =	vxor.u32 v50, v8;
	v5 =	vadd.s32 v9, v6;
	v9 =	vld [tilespmem:s20+$0x100]  }
0x80: {  	v31 =	vadd.s32 v20, v12;
	v6 =	vadd.s32 v13, v2;
	v15 =	vadd.s32 v21, v5;
	v5 =	vld [tilespmem:s20+$0x80]  }
0x81: {  	v20 =	vld [tilespmem:s20+$0x150];
	vm13 =	vgt.f32 v51, $0.0e+00;
	vm15 =	vgt.f32 v4, $0.0e+00;
	vm7 =	vgt.f32 v62, $0.0e+00  }
0x82: {  	v21 =	vld [tilespmem:s20+$0xD0];
	vm8 =	vgt.f32 v44, $0.0e+00;
	v4 =	vsel vm13, $0x1, v1;
	v2 =	vsel vm15, $0x1, v1  }
0x83: {  	vm13 =	vgt.f32 v28, $0.0e+00;
	vm14 =	vgt.f32 v27, $0.0e+00;
	vm12 =	vgt.f32 v23, $0.0e+00  }
0x84: {  	v25 =	vld [tilespmem:s20+$0x170];
	v12 =	vsel vm14, $0x1, v1;
	vm14 =	vgt.f32 v22, $0.0e+00;
	vm15 =	vgt.f32 v9, $0.0e+00  }
0x85: {  	v53 =	vld [tilespmem:s20+$0xF0];
	v16 =	vsel vm12, $0x1, v1;
	v13 =	vxor.u32 v12, v2;
	vm12 =	vgt.f32 v5, $0.0e+00  }
0x86: {  	v23 =	vld [tilespmem:s20+$0x1F0];
	v9 =	vsel vm15, $0x1, v1;
	v5 =	vsel vm13, $0x1, v1;
	vm13 =	vgt.f32 v11, $0.0e+00  }
0x87: {  	v22 =	vld [tilespmem:s20+$0xE0];
	v27 =	vsel vm14, $0x1, v1;
	vm14 =	vgt.f32 v20, $0.0e+00;
	vm15 =	vgt.f32 v21, $0.0e+00  }
0x88: {  	v55 =	vld [tilespmem:s20+$0x70];
	v11 =	vsel vm12, $0x1, v1;
	v28 =	vsel vm13, $0x1, v1;
	v20 =	vxor.u32 v9, v16  }
0x89: {  	v58 =	vld [tilespmem:s20+$0x50];
	v56 =	vsel vm14, $0x1, v1;
	v57 =	vsel vm15, $0x1, v1;
	v54 =	vxor.u32 v28, v17  }
0x8a: {  	vm14 =	vgt.f32 v25, $0.0e+00;
	v21 =	vadd.s32 v24, v54;
	v24 =	vxor.u32 v28, v11;
	v28 =	vld [tilespmem:s20+$0x1D0]  }
0x8b: {  	vm15 =	vgt.f32 v53, $0.0e+00;
	v17 =	vxor.u32 v27, v5;
	vm13 =	vgt.f32 v23, $0.0e+00;
	v23 =	vld [tilespmem:s20+$0x60]  }
0x8c: {  	v60 =	vsel vm15, $0x1, v1;
	v11 =	vxor.u32 v11, v9;
	vm12 =	vgt.f32 v22, $0.0e+00  }
0x8d: {  	v22 =	vadd.s32 v24, v21;
	v24 =	vld [tilespmem:s20+$0xB0];
	v9 =	vsel vm13, $0x1, v1;
	v25 =	vsel vm12, $0x1, v1  }
0x8e: {  	v59 =	vld [tilespmem:s20+$0x30];
	vm12 =	vgt.f32 v55, $0.0e+00;
	v22 =	vadd.s32 v11, v22;
	v21 =	vxor.u32 v25, v27  }
0x8f: {  	v41 =	vld [tilespmem:s20+$0x1B0];
	v27 =	vsel vm14, $0x1, v1;
	v34 =	vsel vm12, $0x1, v1;
	vm12 =	vgt.f32 v58, $0.0e+00  }
0x90: {  	v42 =	vsel vm12, $0x1, v1;
	vm13 =	vgt.f32 v28, $0.0e+00;
	vm15 =	vgt.f32 v23, $0.0e+00  }
0x91: {  	v61 =	vld [tilespmem:s20+$0x10];
	v23 =	vxor.u32 v57, v56;
	v19 =	vxor.u32 v42, v19;
	v39 =	vxor.u32 v42, v57  }
0x92: {  	vm14 =	vgt.f32 v24, $0.0e+00;
	v11 =	vsel vm13, $0x1, v1;
	v24 =	vxor.u32 v34, v18  }
0x93: {  	v28 =	vsel vm15, $0x1, v1;
	v18 =	vxor.u32 v27, v9;
	v34 =	vxor.u32 v34, v60  }
0x94: {  	v37 =	vld [tilespmem:s20+$0x1A0];
	vm13 =	vgt.f32 v59, $0.0e+00;
	v27 =	vxor.u32 v60, v27;
	vm15 =	vgt.f32 v41, $0.0e+00  }
0x95: {  	v35 =	vld [tilespmem:s20+$0xC0];
	v43 =	vxor.u32 v28, v14;
	v29 =	vadd.s32 v29, v24;
	v24 =	vadd.s32 v26, v19  }
0x96: {  	v33 =	vld [tilespmem:s20+$0x20];
	v19 =	vsel vm14, $0x1, v1;
	vm14 =	vgt.f32 v61, $0.0e+00;
	v63 =	vsel vm13, $0x1, v1  }
0x97: {  	v14 =	vld [tilespmem:s20+$0x130];
	v26 =	vadd.s32 v34, v29;
	v7 =	vxor.u32 v63, v7;
	v32 =	vsel vm14, $0x1, v1  }
0x98: {  	v36 =	vld [tilespmem:s20+$0xA0];
	v29 =	vxor.u32 v56, v11;
	v27 =	vadd.s32 v27, v26;
	v8 =	vxor.u32 v32, v8  }
0x99: {  	v38 =	vld [tilespmem:s20+$0x110];
	v26 =	vxor.u32 v63, v19;
	v7 =	vadd.s32 v30, v7;
	v31 =	vadd.s32 v31, v8  }
0x9a: {  	s21 =	simm.s32 $0x0;
	v34 =	vld [tilespmem:s20+$0x120];
	v30 =	vadd.s32 v26, v7;
	v7 =	vsel vm15, $0x1, v1;
	v26 =	vadd.s32 v52, v43  }
.LBB2_5:
0x9b: {  	s21 =	sadd.s32 $0x4, s21;
	vm0 =	vgt.f32 v33, $0.0e+00;
	v33 =	vsel vm7, $0x1, v1;
	vm1 =	vgt.f32 v37, $0.0e+00;
	s20 =	sadd.s32 $0x200, s20;
	v8 =	vmovc v4;
	v37 =	vmovc v16  }
0x9c: {  	v39 =	vadd.s32 v39, v24;
	vm2 =	vgt.f32 v14, $0.0e+00;
	v14 =	vmovc v5;
	v16 =	vld [tilespmem:s20+$0x190];
	p0 =	slt.u32 s21, $0xFC;
	v40 =	vxor.u32 v33, v3;
	v3 =	vmovc v2  }
0x9d: {  	v24 =	vmovc v11;
	v2 =	vld [tilespmem:s20+$0x140];
	v5 =	vadd.s32 v6, v40;
	v6 =	vxor.u32 v28, v25;
	v25 =	vsel vm2, $0x1, v1;
	v28 =	vmovc v9  }
0x9e: {  	v11 =	vsel vm0, $0x1, v1;
	vm0 =	vgt.f32 v35, $0.0e+00;
	v35 =	vsel vm1, $0x1, v1;
	v9 =	vld [tilespmem:s20+$0x1C0]  }
0x9f: {  	v40 =	vxor.u32 v11, v10;
	vm1 =	vgt.f32 v36, $0.0e+00;
	v10 =	vmovc v35;
	vm2 =	vgt.f32 v38, $0.0e+00  }
0xa0: {  	v36 =	vsel vm8, $0x1, v1;
	v15 =	vadd.s32 v15, v40;
	v6 =	vadd.s32 v6, v26  }
0xa1: {  	v38 =	vsel vm0, $0x1, v1;
	vm0 =	vgt.f32 v34, $0.0e+00;
	v26 =	vsel vm2, $0x1, v1  }
0xa2: {  	v23 =	vadd.s32 v23, v39;
	v32 =	vxor.u32 v32, v36;
	v34 =	vxor.u32 v36, v26  }
0xa3: {  	v22 =	vadd.s32 v20, v22;
	v33 =	vxor.u32 v33, v38;
	v4 =	vxor.u32 v26, v4  }
0xa4: {  	v20 =	vadd.s32 v32, v31;
	v31 =	vsel vm1, $0x1, v1;
	v6 =	vadd.s32 v21, v6  }
0xa5: {  	v11 =	vxor.u32 v11, v31;
	v26 =	vadd.s32 v17, v6;
	v20 =	vadd.s32 v34, v20  }
0xa6: {  	v6 =	vadd.s32 v11, v15;
	v5 =	vadd.s32 v33, v5;
	v11 =	vxor.u32 v25, v7  }
0xa7: {  	v15 =	vsel vm0, $0x1, v1;
	v17 =	vxor.u32 v19, v25;
	v19 =	vadd.s32 v29, v23  }
0xa8: {  	v27 =	vadd.s32 v18, v27;
	v17 =	vadd.s32 v17, v30;
	v21 =	vxor.u32 v15, v35  }
0xa9: {  	v12 =	vxor.u32 v38, v12;
	v15 =	vxor.u32 v31, v15;
	v31 =	vadd.s32 v11, v17  }
0xaa: {  	v5 =	vadd.s32 v12, v5;
	v6 =	vadd.s32 v15, v6;
	v30 =	vadd.s32 v4, v20  }
0xab: {  	vm3 =	vgt.f32 v16, $0.0e+00;
	v15 =	vadd.s32 v21, v6;
	v6 =	vadd.s32 v13, v5  }
0xac: {  	vm2 =	vgt.f32 v2, $0.0e+00;
	vm1 =	vgt.f32 v9, $0.0e+00;
	v2 =	vld [tilespmem:s20+$0x180]  }
0xad: {  	v5 =	vld [tilespmem:s20+$0x1E0]  }
0xae: {  	v9 =	vld [tilespmem:s20+$0x160]  }
0xaf: {  	v11 =	vld [tilespmem:s20+$0x100]  }
0xb0: {  	v17 =	vld [tilespmem:s20+$0x80]  }
0xb1: {  	v18 =	vld [tilespmem:s20+$0x0];
	vm4 =	vgt.f32 v2, $0.0e+00  }
0xb2: {  	v4 =	vsel vm3, $0x1, v1;
	v20 =	vld [tilespmem:s20+$0x150];
	vm0 =	vgt.f32 v5, $0.0e+00  }
0xb3: {  	v12 =	vsel vm2, $0x1, v1;
	v2 =	vsel vm1, $0x1, v1;
	v21 =	vld [tilespmem:s20+$0xD0];
	vm2 =	vgt.f32 v9, $0.0e+00  }
0xb4: {  	v16 =	vsel vm4, $0x1, v1;
	v13 =	vxor.u32 v12, v2;
	v9 =	vld [tilespmem:s20+$0xE0];
	vm5 =	vgt.f32 v11, $0.0e+00  }
0xb5: {  	v5 =	vsel vm0, $0x1, v1;
	vm6 =	vgt.f32 v17, $0.0e+00;
	v11 =	vsel vm5, $0x1, v1;
	v23 =	vld [tilespmem:s20+$0x1F0]  }
0xb6: {  	v29 =	vsel vm2, $0x1, v1;
	vm5 =	vgt.f32 v18, $0.0e+00;
	v18 =	vsel vm6, $0x1, v1;
	v25 =	vld [tilespmem:s20+$0x170]  }
0xb7: {  	v32 =	vsel vm5, $0x1, v1;
	v33 =	vld [tilespmem:s20+$0xF0];
	vm2 =	vgt.f32 v20, $0.0e+00;
	v20 =	vxor.u32 v11, v16  }
0xb8: {  	v17 =	vxor.u32 v29, v5;
	v34 =	vxor.u32 v32, v37;
	v35 =	vld [tilespmem:s20+$0x70];
	vm5 =	vgt.f32 v21, $0.0e+00  }
0xb9: {  	v21 =	vadd.s32 v22, v34;
	v22 =	vxor.u32 v32, v18;
	vm6 =	vgt.f32 v9, $0.0e+00;
	v32 =	vld [tilespmem:s20+$0x1D0]  }
0xba: {  	v36 =	vsel vm2, $0x1, v1;
	v22 =	vadd.s32 v22, v21;
	v34 =	vld [tilespmem:s20+$0xB0];
	vm2 =	vgt.f32 v23, $0.0e+00  }
0xbb: {  	v11 =	vxor.u32 v18, v11;
	v38 =	vsel vm5, $0x1, v1;
	v23 =	vld [tilespmem:s20+$0x60];
	vm5 =	vgt.f32 v25, $0.0e+00  }
0xbc: {  	v25 =	vsel vm6, $0x1, v1;
	v9 =	vsel vm2, $0x1, v1;
	v18 =	vld [tilespmem:s20+$0x50];
	vm6 =	vgt.f32 v33, $0.0e+00  }
0xbd: {  	v21 =	vxor.u32 v25, v29;
	v29 =	vsel vm5, $0x1, v1;
	v39 =	vld [tilespmem:s20+$0x40];
	vm7 =	vgt.f32 v35, $0.0e+00  }
0xbe: {  	v22 =	vadd.s32 v11, v22;
	v35 =	vld [tilespmem:s20+$0x30];
	v37 =	vsel vm7, $0x1, v1;
	vm5 =	vgt.f32 v32, $0.0e+00  }
0xbf: {  	v32 =	vsel vm6, $0x1, v1;
	v33 =	vld [tilespmem:s20+$0x20];
	vm7 =	vgt.f32 v34, $0.0e+00;
	v11 =	vsel vm5, $0x1, v1  }
0xc0: {  	v40 =	vxor.u32 v37, v28;
	v34 =	vld [tilespmem:s20+$0x10];
	vm6 =	vgt.f32 v23, $0.0e+00;
	v23 =	vxor.u32 v38, v36  }
0xc1: {  	vm8 =	vgt.f32 v18, $0.0e+00;
	v28 =	vsel vm6, $0x1, v1;
	v41 =	vld [tilespmem:s20+$0x1B0];
	v18 =	vxor.u32 v29, v9  }
0xc2: {  	v37 =	vxor.u32 v37, v32;
	v42 =	vsel vm8, $0x1, v1;
	v43 =	vxor.u32 v28, v14;
	v14 =	vld [tilespmem:s20+$0x130]  }
0xc3: {  	v27 =	vadd.s32 v27, v40;
	vm6 =	vgt.f32 v35, $0.0e+00;
	v24 =	vxor.u32 v42, v24;
	v40 =	vld [tilespmem:s20+$0x90]  }
0xc4: {  	v27 =	vadd.s32 v37, v27;
	v24 =	vadd.s32 v19, v24;
	v19 =	vsel vm7, $0x1, v1  }
0xc5: {  	v29 =	vxor.u32 v32, v29;
	vm7 =	vgt.f32 v34, $0.0e+00;
	v34 =	vsel vm6, $0x1, v1  }
.Ltmp1:
0xc6: {  	v27 =	vadd.s32 v29, v27;
	v29 =	vxor.u32 v36, v11;
	v7 =	vxor.u32 v34, v7;
	v37 =	vld [tilespmem:s20+$0x1A0];
	(pc) =	sbr.rel @p0 .LBB2_5-.Ltmp1, $4  }
0xc7: {  	v32 =	vsel vm7, $0x1, v1;
	v34 =	vxor.u32 v34, v19;
	vm6 =	vgt.f32 v41, $0.0e+00;
	v35 =	vld [tilespmem:s20+$0xC0]  }
0xc8: {  	vm7 =	vgt.f32 v39, $0.0e+00;
	v8 =	vxor.u32 v32, v8;
	v7 =	vadd.s32 v31, v7;
	v36 =	vld [tilespmem:s20+$0xA0]  }
0xc9: {  	v31 =	vadd.s32 v30, v8;
	v30 =	vadd.s32 v34, v7;
	v7 =	vsel vm6, $0x1, v1;
	v34 =	vld [tilespmem:s20+$0x120]  }
0xca: {  	v26 =	vadd.s32 v26, v43;
	v39 =	vxor.u32 v42, v38;
	vm8 =	vgt.f32 v40, $0.0e+00;
	v38 =	vld [tilespmem:s20+$0x110]  }
0xcb: {  	vm9 =	vgt.f32 v33, $0.0e+00;
	v8 =	vsel vm7, $0x1, v1  }
0xcc: {  	vm7 =	vgt.f32 v37, $0.0e+00;
	v24 =	vadd.s32 v39, v24;
	vm10 =	vgt.f32 v14, $0.0e+00  }
0xcd: {  	v14 =	vxor.u32 v28, v25;
	v22 =	vadd.s32 v20, v22;
	v3 =	vxor.u32 v8, v3  }
0xce: {  	v25 =	vsel vm10, $0x1, v1;
	v28 =	vsel vm9, $0x1, v1;
	vm14 =	vgt.f32 v35, $0.0e+00  }
0xcf: {  	v14 =	vadd.s32 v14, v26;
	v23 =	vadd.s32 v23, v24;
	v3 =	vadd.s32 v6, v3  }
0xd0: {  	v6 =	vsel vm7, $0x1, v1;
	v10 =	vxor.u32 v28, v10;
	vm15 =	vgt.f32 v36, $0.0e+00  }
0xd1: {  	v26 =	vsel vm14, $0x1, v1;
	v14 =	vadd.s32 v21, v14;
	v10 =	vadd.s32 v15, v10  }
0xd2: {  	v15 =	vsel vm8, $0x1, v1;
	vm8 =	vgt.f32 v34, $0.0e+00;
	v8 =	vxor.u32 v8, v26  }
0xd3: {  	v21 =	vadd.s32 v17, v14;
	v17 =	vxor.u32 v19, v25;
	v12 =	vxor.u32 v26, v12  }
0xd4: {  	vm11 =	vgt.f32 v38, $0.0e+00;
	v32 =	vxor.u32 v32, v15;
	v3 =	vadd.s32 v8, v3  }
0xd5: {  	s19 =	sadd.s32 $0x1, s19;
	v8 =	vxor.u32 v25, v7;
	v14 =	vsel vm8, $0x1, v1;
	v25 =	vadd.s32 v29, v23  }
0xd6: {  	p0 =	sne.s32 s19, $0x10;
	v17 =	vadd.s32 v17, v30;
	v23 =	vadd.s32 v18, v27;
	v63 =	vsel vm11, $0x1, v1  }
.Ltmp2:
0xd7: {  	v24 =	vadd.s32 v32, v31;
	v31 =	vsel vm15, $0x1, v1;
	v19 =	vxor.u32 v14, v6;
	(pc) =	sbr.rel @p0 .LBB2_2-.Ltmp2, $4  }
0xd8: {  	v26 =	vadd.s32 v8, v17;
	v3 =	vadd.s32 v12, v3;
	v28 =	vxor.u32 v28, v31  }
0xd9: {  	v15 =	vxor.u32 v15, v63;
	v14 =	vxor.u32 v31, v14;
	v10 =	vadd.s32 v28, v10  }
0xda: {  	v20 =	vxor.u32 v63, v4;
	v15 =	vadd.s32 v15, v24;
	v8 =	vadd.s32 v14, v10  }
0xdb: {  	v30 =	vadd.s32 v20, v15;
	v10 =	vadd.s32 v13, v3;
	v12 =	vadd.s32 v19, v8  }
0xdc: {  	_ =	swait.ge [sflag:s14], $0x80  }
0xdd: {  	[sflag:s14] =	ssyncset.done $0x0  }
0xde: {  	[sflag:s14] =	ssyncadd.s32 $0xFFFFFF80  }
0xdf: {  	_ =	swait.ge [sflag:s15], $0x80  }
0xe0: {  	[sflag:s15] =	ssyncset.done $0x0  }
0xe1: {  	[sflag:s15] =	ssyncadd.s32 $0xFFFFFF80  }
0xe2: {  	v3 =	vld [tilespmem:$0x10080]  }
0xe3: {  	v8 =	vld [tilespmem:$0x10000]  }
0xe4: {  	v13 =	vld [tilespmem:$0x10010]  }
0xe5: {  	v15 =	vld [tilespmem:$0x100A0]  }
0xe6: {  	v35 =	vld [tilespmem:$0x10020]  }
0xe7: {  	v37 =	vld [tilespmem:$0x100B0]  }
0xe8: {  	v38 =	vld [tilespmem:$0x10030]  }
0xe9: {  	v33 =	vadd.s32 v16, v22;
	v6 =	vadd.s32 v6, v12;
	v44 =	vadd.s32 v7, v26;
	v42 =	vld [tilespmem:$0x10040]  }
0xea: {  	v2 =	vadd.s32 v2, v10;
	v11 =	vadd.s32 v11, v25;
	v5 =	vadd.s32 v5, v21;
	v54 =	vld [tilespmem:$0x100F0]  }
0xeb: {  	v59 =	vadd.s32 v9, v23;
	vm8 =	vgt.f32 v3, $0.0e+00;
	vm9 =	vgt.f32 v8, $0.0e+00  }
0xec: {  	v56 =	vld [tilespmem:$0x10070];
	vm14 =	vgt.f32 v13, $0.0e+00;
	vm10 =	vgt.f32 v35, $0.0e+00;
	vm12 =	vgt.f32 v37, $0.0e+00  }
0xed: {  	v48 =	vld [tilespmem:$0x10050];
	vm13 =	vgt.f32 v38, $0.0e+00;
	vm8 =	vmneg vm8;
	v14 =	vsel vm9, $0xFFFFFFFE, v1  }
0xee: {  	v36 =	vsel vm14, $0xFFFFFFFE, v1;
	vm9 =	vgt.f32 v15, $0.0e+00;
	v40 =	vsel vm10, $0xFFFFFFFE, v1  }
0xef: {  	v45 =	vsel vm13, $0xFFFFFFFE, v1;
	vm14 =	vgt.f32 v42, $0.0e+00;
	vm13 =	vgt.f32 v54, $0.0e+00  }
0xf0: {  	v3 =	vld [tilespmem:$0x10090];
	vm4 =	vmor vm4, vm8;
	v8 =	vadd.s32 v14, v33;
	v6 =	vadd.s32 v40, v6  }
0xf1: {  	v50 =	vld [tilespmem:$0x10060];
	v49 =	vsel vm14, $0xFFFFFFFE, v1;
	vm14 =	vgt.f32 v56, $0.0e+00;
	v34 =	vsel vm4, $0x0, v0  }
0xf2: {  	vm4 =	vmneg vm9;
	v2 =	vadd.s32 v49, v2;
	vm9 =	vgt.f32 v48, $0.0e+00  }
0xf3: {  	v43 =	vld [tilespmem:$0x100C0];
	v60 =	vsel vm14, $0xFFFFFFFE, v1;
	v8 =	vadd.s32 v34, v8;
	vm11 =	vmor vm7, vm4  }
0xf4: {  	v53 =	vsel vm9, $0xFFFFFFFE, v1;
	v61 =	vadd.s32 v60, v59;
	v8 =	vcvt.s32.f32 v8  }
0xf5: {  	v46 =	vld [tilespmem:$0x100D0];
	vm15 =	vgt.f32 v3, $0.0e+00;
	v3 =	vadd.s32 v4, v30;
	v41 =	vsel vm11, $0x0, v0  }
0xf6: {  	v51 =	vld [tilespmem:$0x100E0];
	v4 =	vadd.s32 v45, v44;
	v11 =	vadd.s32 v53, v11;
	vm11 =	vgt.f32 v50, $0.0e+00  }
0xf7: {  	vm8 =	vmneg vm15;
	v3 =	vadd.s32 v36, v3;
	v6 =	vadd.s32 v41, v6  }
0xf8: {  	vm15 =	vgt.f32 v43, $0.0e+00;
	v57 =	vsel vm11, $0xFFFFFFFE, v1;
	vm3 =	vmor vm3, vm8  }
0xf9: {  	v6 =	vcvt.s32.f32 v6;
	v8 =	vmul.f32 $5.000000000e-01, v8;
	vm4 =	vmneg vm15  }
0xfa: {  	vm8 =	vgt.f32 v46, $0.0e+00;
	v5 =	vadd.s32 v57, v5;
	v39 =	vsel vm3, $0x0, v0  }
0xfb: {  	vm3 =	vmneg vm12;
	vm1 =	vmor vm1, vm4;
	vm12 =	vgt.f32 v51, $0.0e+00  }
0xfc: {  	v3 =	vadd.s32 v39, v3;
	vm3 =	vmor vm6, vm3;
	v6 =	vmul.f32 $5.000000000e-01, v6  }
0xfd: {  	v52 =	vsel vm1, $0x0, v0;
	vm1 =	vmneg vm13;
	v3 =	vcvt.s32.f32 v3  }
0xfe: {  	v47 =	vsel vm3, $0x0, v0;
	vm3 =	vmneg vm8;
	v2 =	vadd.s32 v52, v2  }
0xff: {  	vm15 =	vmor vm2, vm1;
	v4 =	vadd.s32 v47, v4;
	vm10 =	vmor vm5, vm3  }
0x100: {  	v2 =	vcvt.s32.f32 v2;
	vm3 =	vmneg vm12;
	v62 =	vsel vm15, $0x0, v0  }
0x101: {  	v3 =	vmul.f32 $5.000000000e-01, v3;
	v55 =	vsel vm10, $0x0, v0;
	vm0 =	vmor vm0, vm3  }
0x102: {  	[tilespmem:$0x10100] =	vst v8;
	v4 =	vcvt.s32.f32 v4;
	v11 =	vadd.s32 v55, v11;
	v58 =	vsel vm0, $0x0, v0  }
0x103: {  	v2 =	vmul.f32 $5.000000000e-01, v2;
	v11 =	vcvt.s32.f32 v11;
	[tilespmem:$0x10110] =	vst v3;
	v3 =	vadd.s32 v58, v5  }
0x104: {  	[tilespmem:$0x10120] =	vst v6;
	v4 =	vmul.f32 $5.000000000e-01, v4;
	v5 =	vadd.s32 v62, v61;
	v3 =	vcvt.s32.f32 v3  }
0x105: {  	v5 =	vcvt.s32.f32 v5;
	[tilespmem:$0x10140] =	vst v2;
	v63 =	vmul.f32 $5.000000000e-01, v11  }
0x106: {  	[tilespmem:$0x10130] =	vst v4;
	v2 =	vmul.f32 $5.000000000e-01, v3  }
0x107: {  	s18 =	sadd.s32 $0x1, s18;
	v3 =	vmul.f32 $5.000000000e-01, v5;
	[tilespmem:$0x10150] =	vst v63  }
0x108: {  	p0 =	sne.s32 s18, s7;
	[tilespmem:$0x10160] =	vst v2  }
.Ltmp3:
0x109: {  	[tilespmem:$0x10170] =	vst v3;
	(pc) =	sbr.rel @p0 .LBB2_1-.Ltmp3, $4  }
0x10a: {  	[hbm4b:s6+s2] =	stream.linear.scatter [tilespmem:s16], [sflag:$0x5], $0x80, $0x38;
	[tilespmem:$0x10180] =	vst v63  }
0x10b: {  	_ =	swait.ge [sflag:s17], $0x80  }
0x10c: {  	[sflag:s17] =	ssyncset.done $0x0  }
0x10d: {  	[sflag:s17] =	ssyncadd.s32 $0xFFFFFF80  }
0x10e: {  	_ =	sfence.sel $0x180000  }
0x10f: {  	[bflag:$0x0] =	sbarrier.arrive $0xFFFF  }
0x110: {  	p0 =	sne.s32 s0, $0x0;
	_ =	strace $0x90000047  }
0x111: {  	s0 =	sadd.s32 @!p0 $0x100000, s1;
	[bflag:$0x2] =	sbarrier.arrive $0xFFFF  }
0x112: {  	[sflag:s0] =	ssyncadd.tile.s32 @!p0 $0x1;
	_ =	shalt  }
.Lfunc_end2:
_tile_overlayer_lowered:
.L_overlay_start_2:
0x113: {  	(tag) =	ssettag $0x2  }
0x114: {  	s0 =	rddreg [dreg:$0x0];
	s2 =	stileid.u32  }
0x115: {  	s1 =	rddreg [dreg:$0x1];
	p0 =	sne.s32 s2, $0x0  }
0x116: {  	s3 =	rddreg [dreg:$0x2];
	[bflag:$0x3] =	sbarrier.arrive $0xFFFF;
	s2 =	simm.s32 @!p0 $0x1C05  }
0x117: {  	[timem:s3], [sflag:s2] =	dma.local @!p0 [hbm:s0], s1  }
0x118: {  	s0 =	simm.s32 @!p0 $0x5  }
0x119: {  	_ =	swait.ge @!p0 [sflag:s0], s1  }
0x11a: {  	s1 =	ssub.s32 @!p0 $0x0, s1;
	[sflag:s0] =	ssyncset.done @!p0 $0x0  }
0x11b: {  	[sflag:s0] =	ssyncadd.s32 @!p0 s1  }
0x11c: {  	[bflag:$0x3] =	sbarrier.arrive $0xFFFF  }
0x11d: {  	_ =	shalt  }

</sc_bundles>
